<compile_context>
chip_gen: v7x
topology: tpu7x:2x2x1
jax: 0.10.2.dev20260603
libtpu: 0.0.44.dev20260713+nightly
codegen_flags: <defaults>
</compile_context>

<pallas_src>
import functools

import jax
import jax.numpy as jnp
from jax import lax
from jax.experimental import pallas as pl
from jax.experimental.pallas import tpu as pltpu
from jax.experimental.pallas import tpu_sc as plsc

NUM_EXPERTS = 8
ALPHA = 0.5
D_MODEL = 768
D_HIDDEN = 512
SEQ = 2048
BLK = 128
NB = (SEQ + NUM_EXPERTS * (BLK - 1) + BLK - 1) // BLK
PADN = NB * BLK
NW = 32
CHUNK = SEQ // NW
TB = 512


def _routing_kernel(x_ref, Wg_ref, bg_ref,
                    v0_ref, v1_ref, d0_ref, d1_ref,
                    be0_ref, act0_ref, be1_ref, act1_ref):
    xb = x_ref[...]
    logits = jnp.dot(xb, Wg_ref[...],
                     preferred_element_type=jnp.float32) + bg_ref[...]
    m = jnp.max(logits, axis=-1, keepdims=True)
    p = jnp.exp(logits - m)
    p = p / jnp.sum(p, axis=-1, keepdims=True)
    eidx = lax.broadcasted_iota(jnp.int32, (SEQ, NUM_EXPERTS), 1)
    m0 = jnp.max(p, axis=-1, keepdims=True)
    e0 = jnp.min(jnp.where(p == m0, eidx, NUM_EXPERTS), axis=-1,
                 keepdims=True)
    p_m = jnp.where(eidx == e0, -jnp.inf, p)
    m1 = jnp.max(p_m, axis=-1, keepdims=True)
    e1 = jnp.min(jnp.where(p_m == m1, eidx, NUM_EXPERTS), axis=-1,
                 keepdims=True)
    v0_ref[...] = m0
    v1_ref[...] = m1

    nblk = SEQ // BLK
    r_i = lax.broadcasted_iota(jnp.int32, (BLK, BLK), 0)
    c_i = lax.broadcasted_iota(jnp.int32, (BLK, BLK), 1)
    tril = (c_i < r_i).astype(jnp.float32)
    r16 = lax.broadcasted_iota(jnp.int32, (nblk, nblk), 0)
    c16 = lax.broadcasted_iota(jnp.int32, (nblk, nblk), 1)
    tril16 = (c16 < r16).astype(jnp.float32)
    r8 = lax.broadcasted_iota(jnp.int32, (NUM_EXPERTS, NUM_EXPERTS), 0)
    c8 = lax.broadcasted_iota(jnp.int32, (NUM_EXPERTS, NUM_EXPERTS), 1)
    triu8 = (r8 < c8).astype(jnp.float32)

    def route(e_sel, d_ref, be_ref, act_ref):
        oh = (eidx == e_sel).astype(jnp.float32)
        within = []
        sums = []
        for b in range(nblk):
            blk = lax.slice(oh, (b * BLK, 0), ((b + 1) * BLK, NUM_EXPERTS))
            within.append(jnp.dot(tril, blk,
                                  preferred_element_type=jnp.float32))
            sums.append(jnp.sum(blk, axis=0, keepdims=True))
        bs = jnp.concatenate(sums, axis=0)
        bo = jnp.dot(tril16, bs, preferred_element_type=jnp.float32)
        ranks = jnp.concatenate(
            [within[b] + lax.slice(bo, (b, 0), (b + 1, NUM_EXPERTS))
             for b in range(nblk)], axis=0)
        counts = jnp.sum(bs, axis=0, keepdims=True)
        pc = jnp.ceil(counts / BLK) * BLK
        base = jnp.dot(pc, triu8,
                       preferred_element_type=jnp.float32)
        dest = jnp.sum(oh * (ranks + base), axis=-1, keepdims=True)
        d_ref[...] = dest.astype(jnp.int32)
        total = jnp.sum(pc, axis=-1, keepdims=True)
        bstart = (lax.broadcasted_iota(jnp.int32, (NB, NUM_EXPERTS), 0)
                  * BLK).astype(jnp.float32)
        be = jnp.sum((base <= bstart).astype(jnp.float32), axis=-1,
                     keepdims=True) - 1.0
        be_ref[...] = jnp.clip(be, 0.0, NUM_EXPERTS - 1).astype(jnp.int32)
        bstart1 = (lax.broadcasted_iota(jnp.int32, (NB, 1), 0)
                   * BLK).astype(jnp.float32)
        act_ref[...] = (bstart1 < total).astype(jnp.int32)

    route(e0, d0_ref, be0_ref, act0_ref)
    route(e1, d1_ref, be1_ref, act1_ref)


def _grouped_mlp_kernel(be_ref, act_ref, xs_ref, W1_ref, b1_ref,
                        W2_ref, b2_ref, o_ref):
    i = pl.program_id(0)

    @pl.when(act_ref[i] != 0)
    def _():
        e = be_ref[i]
        xb = xs_ref[...]

        def branch(ee):
            def f():
                h = jnp.maximum(
                    jnp.dot(xb, W1_ref[ee],
                            preferred_element_type=jnp.float32)
                    + b1_ref[ee], 0.0)
                o_ref[...] = xb + ALPHA * (
                    jnp.dot(h, W2_ref[ee],
                            preferred_element_type=jnp.float32)
                    + b2_ref[ee])
            return f

        lax.switch(e, [branch(ee) for ee in range(NUM_EXPERTS)])


def _combine_kernel(x_ref, xb1_ref, g1_ref, v0_ref, v1_ref,
                    gamma_ref, beta_ref, o_ref):
    x = x_ref[...]
    xb1 = xb1_ref[...]
    g1 = g1_ref[...]
    y = x + (2.0 * v0_ref[...]) * (xb1 - x) + (2.0 * v1_ref[...]) * (g1 - xb1)
    mu = jnp.mean(y, axis=-1, keepdims=True)
    yc = y - mu
    var = jnp.mean(yc * yc, axis=-1, keepdims=True)
    o_ref[...] = yc * lax.rsqrt(var + 1e-5) * gamma_ref[...] + beta_ref[...]


def _sc_wid():
    return lax.axis_index("s") * 2 + lax.axis_index("c")


@functools.lru_cache(maxsize=1)
def _make_sc_kernels():
    mesh = plsc.VectorSubcoreMesh(core_axis_name="c", subcore_axis_name="s")

    @functools.partial(
        pl.kernel,
        out_type=jax.ShapeDtypeStruct((PADN, D_MODEL), jnp.float32),
        mesh=mesh,
        scratch_types=[
            pltpu.VMEM((CHUNK,), jnp.int32),
            pltpu.VMEM((CHUNK, D_MODEL), jnp.float32),
            pltpu.SemaphoreType.DMA,
        ],
    )
    def sc_scatter_x(x_hbm, d0_hbm, xs0_hbm, idx_v, rows_v, sem):
        base = _sc_wid() * CHUNK
        pltpu.sync_copy(d0_hbm.at[pl.ds(base, CHUNK)], idx_v)
        pltpu.sync_copy(x_hbm.at[pl.ds(base, CHUNK)], rows_v)
        pltpu.async_copy(rows_v, xs0_hbm.at[idx_v], sem).wait()

    @functools.partial(
        pl.kernel,
        out_type=(jax.ShapeDtypeStruct((SEQ, D_MODEL), jnp.float32),
                  jax.ShapeDtypeStruct((PADN, D_MODEL), jnp.float32)),
        mesh=mesh,
        scratch_types=[
            pltpu.VMEM((CHUNK,), jnp.int32),
            pltpu.VMEM((CHUNK,), jnp.int32),
            pltpu.VMEM((CHUNK, D_MODEL), jnp.float32),
            pltpu.SemaphoreType.DMA,
        ],
    )
    def sc_regroup(ys0_hbm, d0_hbm, d1_hbm, xb1_hbm, xs1_hbm,
                   idx0_v, idx1_v, buf_v, sem):
        base = _sc_wid() * CHUNK
        pltpu.sync_copy(d0_hbm.at[pl.ds(base, CHUNK)], idx0_v)
        pltpu.sync_copy(d1_hbm.at[pl.ds(base, CHUNK)], idx1_v)
        pltpu.async_copy(ys0_hbm.at[idx0_v], buf_v, sem).wait()
        pltpu.sync_copy(buf_v, xb1_hbm.at[pl.ds(base, CHUNK)])
        pltpu.async_copy(buf_v, xs1_hbm.at[idx1_v], sem).wait()

    @functools.partial(
        pl.kernel,
        out_type=jax.ShapeDtypeStruct((SEQ, D_MODEL), jnp.float32),
        mesh=mesh,
        scratch_types=[
            pltpu.VMEM((CHUNK,), jnp.int32),
            pltpu.VMEM((CHUNK, D_MODEL), jnp.float32),
            pltpu.SemaphoreType.DMA,
        ],
    )
    def sc_ungroup(ys1_hbm, d1_hbm, g1_hbm, idx_v, rows_v, sem):
        base = _sc_wid() * CHUNK
        pltpu.sync_copy(d1_hbm.at[pl.ds(base, CHUNK)], idx_v)
        pltpu.async_copy(ys1_hbm.at[idx_v], rows_v, sem).wait()
        pltpu.sync_copy(rows_v, g1_hbm.at[pl.ds(base, CHUNK)])

    return sc_scatter_x, sc_regroup, sc_ungroup


def _sc_scatter_x(x2, d0):
    return _make_sc_kernels()[0](x2, d0)


def _sc_regroup(ys0, d0, d1):
    return _make_sc_kernels()[1](ys0, d0, d1)


def _sc_ungroup(ys1, d1):
    return _make_sc_kernels()[2](ys1, d1)


def _grouped_mlp(be, act, xs, W1b, b1, W2b, b2):
    return pl.pallas_call(
        _grouped_mlp_kernel,
        grid=(NB,),
        in_specs=[
            pl.BlockSpec(memory_space=pltpu.SMEM),
            pl.BlockSpec(memory_space=pltpu.SMEM),
            pl.BlockSpec((BLK, D_MODEL), lambda i: (i, 0)),
            pl.BlockSpec((NUM_EXPERTS, D_MODEL, D_HIDDEN),
                         lambda i: (0, 0, 0)),
            pl.BlockSpec((NUM_EXPERTS, 1, D_HIDDEN), lambda i: (0, 0, 0)),
            pl.BlockSpec((NUM_EXPERTS, D_HIDDEN, D_MODEL),
                         lambda i: (0, 0, 0)),
            pl.BlockSpec((NUM_EXPERTS, 1, D_MODEL), lambda i: (0, 0, 0)),
        ],
        out_specs=pl.BlockSpec((BLK, D_MODEL), lambda i: (i, 0)),
        out_shape=jax.ShapeDtypeStruct((PADN, D_MODEL), jnp.float32),
    )(be, act, xs, W1b, b1.reshape(NUM_EXPERTS, 1, D_HIDDEN), W2b,
      b2.reshape(NUM_EXPERTS, 1, D_MODEL))


def kernel(x, Wg, bg, W1, b1, W2, b2, gamma, beta):
    x2 = x.reshape(SEQ, D_MODEL)

    v0, v1, d0, d1, be0, act0, be1, act1 = pl.pallas_call(
        _routing_kernel,
        grid=(1,),
        in_specs=[
            pl.BlockSpec((SEQ, D_MODEL), lambda i: (0, 0)),
            pl.BlockSpec((D_MODEL, NUM_EXPERTS), lambda i: (0, 0)),
            pl.BlockSpec((NUM_EXPERTS,), lambda i: (0,)),
        ],
        out_specs=[
            pl.BlockSpec((SEQ, 1), lambda i: (0, 0)),
            pl.BlockSpec((SEQ, 1), lambda i: (0, 0)),
            pl.BlockSpec((SEQ, 1), lambda i: (0, 0)),
            pl.BlockSpec((SEQ, 1), lambda i: (0, 0)),
            pl.BlockSpec((NB, 1), lambda i: (0, 0)),
            pl.BlockSpec((NB, 1), lambda i: (0, 0)),
            pl.BlockSpec((NB, 1), lambda i: (0, 0)),
            pl.BlockSpec((NB, 1), lambda i: (0, 0)),
        ],
        out_shape=[
            jax.ShapeDtypeStruct((SEQ, 1), jnp.float32),
            jax.ShapeDtypeStruct((SEQ, 1), jnp.float32),
            jax.ShapeDtypeStruct((SEQ, 1), jnp.int32),
            jax.ShapeDtypeStruct((SEQ, 1), jnp.int32),
            jax.ShapeDtypeStruct((NB, 1), jnp.int32),
            jax.ShapeDtypeStruct((NB, 1), jnp.int32),
            jax.ShapeDtypeStruct((NB, 1), jnp.int32),
            jax.ShapeDtypeStruct((NB, 1), jnp.int32),
        ],
    )(x2, Wg, bg)

    d0f = d0.reshape(SEQ)
    d1f = d1.reshape(SEQ)
    be0f = be0.reshape(NB)
    act0f = act0.reshape(NB)
    be1f = be1.reshape(NB)
    act1f = act1.reshape(NB)

    xs0 = _sc_scatter_x(x2, d0f)
    ys0 = _grouped_mlp(be0f, act0f, xs0, W1, b1, W2, b2)
    xb1, xs1 = _sc_regroup(ys0, d0f, d1f)
    ys1 = _grouped_mlp(be1f, act1f, xs1, W1, b1, W2, b2)
    g1 = _sc_ungroup(ys1, d1f)

    out = pl.pallas_call(
        _combine_kernel,
        grid=(SEQ // TB,),
        in_specs=[
            pl.BlockSpec((TB, D_MODEL), lambda i: (i, 0)),
            pl.BlockSpec((TB, D_MODEL), lambda i: (i, 0)),
            pl.BlockSpec((TB, D_MODEL), lambda i: (i, 0)),
            pl.BlockSpec((TB, 1), lambda i: (i, 0)),
            pl.BlockSpec((TB, 1), lambda i: (i, 0)),
            pl.BlockSpec((D_MODEL,), lambda i: (0,)),
            pl.BlockSpec((D_MODEL,), lambda i: (0,)),
        ],
        out_specs=pl.BlockSpec((TB, D_MODEL), lambda i: (i, 0)),
        out_shape=jax.ShapeDtypeStruct((SEQ, D_MODEL), jnp.float32),
    )(x2, xb1, g1, v0, v1, gamma, beta)
    return out.reshape(1, SEQ, D_MODEL)

# --- scband reference (transcript-rebuilt; emitter-appended) ---
"""Pipeline reference for scband-sparse-boosting-mo-e-8100308320514 (READ-ONLY COPY).

The authoritative reference and input builder live on the scoring server;
editing this copy changes nothing except your own understanding.
"""

import jax, jax.numpy as jnp
import numpy as np

NUM_EXPERTS = 8
TOP_K = 2
ALPHA = 0.5
D_MODEL = 768
D_HIDDEN = 512


def setup_inputs(seed: int = 0) -> dict:
    key = jax.random.key(seed)
    ks = jax.random.split(key, 8)
    x = jax.random.normal(ks[0], (1, 2048, D_MODEL), dtype=jnp.float32)
    Wg = jax.random.normal(ks[1], (D_MODEL, NUM_EXPERTS), dtype=jnp.float32) * 0.02
    bg = jnp.zeros((NUM_EXPERTS,), dtype=jnp.float32)
    W1 = jax.random.normal(ks[2], (NUM_EXPERTS, D_MODEL, D_HIDDEN), dtype=jnp.float32) * 0.02
    b1 = jnp.zeros((NUM_EXPERTS, D_HIDDEN), dtype=jnp.float32)
    W2 = jax.random.normal(ks[3], (NUM_EXPERTS, D_HIDDEN, D_MODEL), dtype=jnp.float32) * 0.02
    b2 = jnp.zeros((NUM_EXPERTS, D_MODEL), dtype=jnp.float32)
    gamma = jnp.ones((D_MODEL,), dtype=jnp.float32)
    beta = jnp.zeros((D_MODEL,), dtype=jnp.float32)
    return {"x": x, "Wg": Wg, "bg": bg, "W1": W1, "b1": b1, "W2": W2, "b2": b2, "gamma": gamma, "beta": beta}


def _expert_mlp(x, W1e, b1e, W2e, b2e):
    # Linear -> ReLU -> (Dropout eval=identity) -> Linear -> (Dropout eval=identity)
    h = jax.nn.relu(jnp.dot(x, W1e) + b1e)
    return jnp.dot(h, W2e) + b2e


def _forward_selected_expert(x, expert_idx, W1, b1, W2, b2):
    # Equivalent to torch masked dispatch: out[mask] = expert_e(x[mask])
    out = jnp.zeros_like(x)
    for e in range(NUM_EXPERTS):
        mask = (expert_idx == e)[..., None]
        h = _expert_mlp(x, W1[e], b1[e], W2[e], b2[e])
        out = jnp.where(mask, h, out)
    return out


def _layer_norm(x, gamma, beta, eps=1e-5):
    mu = jnp.mean(x, axis=-1, keepdims=True)
    var = jnp.mean((x - mu) ** 2, axis=-1, keepdims=True)
    return (x - mu) / jnp.sqrt(var + eps) * gamma + beta


def reference(x, Wg, bg, W1, b1, W2, b2, gamma, beta):
    residual = x
    gate_logits = jnp.dot(x, Wg) + bg
    gate_weights = jax.nn.softmax(gate_logits, axis=-1)
    topk_vals, topk_indices = jax.lax.top_k(gate_weights, TOP_K)  # [B, L, k]
    boost_input = jax.lax.stop_gradient(x)
    stacked_outputs = []
    for i in range(TOP_K):
        expert_idx = topk_indices[:, :, i]
        expert_out = _forward_selected_expert(boost_input, expert_idx, W1, b1, W2, b2)
        if i < TOP_K - 1:
            boost_input = boost_input + ALPHA * jax.lax.stop_gradient(expert_out)
        else:
            boost_input = boost_input + ALPHA * expert_out
        stacked_outputs.append(expert_out)
    fused = sum(topk_vals[:, :, i][..., None] * stacked_outputs[i] for i in range(TOP_K))
    return _layer_norm(residual + fused, gamma, beta)

if __name__ == "__main__":
    import jax
    _d = setup_inputs()
    print(jax.jit(kernel)(*tuple(_d.values())))

</pallas_src>

<mosaic_0001>
#map = affine_map<(d0, d1) -> (0, 0)>
#map1 = affine_map<(d0, d1) -> (0)>
module attributes {stable_mosaic.version = 14 : i64} {
  func.func @sc_ungroup(%arg0: i32, %arg1: i32, %arg2: memref<3072x768xf32, #tpu.memory_space<hbm>>, %arg3: memref<2048xi32, #tpu.memory_space<hbm>>, %arg4: memref<2048x768xf32, #tpu.memory_space<hbm>>, %arg5: memref<64xi32, #tpu.memory_space<vmem>>, %arg6: memref<64x768xf32, #tpu.memory_space<vmem>>, %arg7: memref<!tpu.dma_semaphore, #tpu.memory_space<semaphore_mem>>) attributes {dimension_semantics = [#tpu.dimension_semantics<core_parallel>, #tpu.dimension_semantics<subcore_parallel>], iteration_bounds = array<i64: 2, 16>, scalar_prefetch = 0 : i64, scratch_operands = 3 : i64, tpu.core_type = #tpu.core_type<sc_vector_subcore>, window_params = [{transform_indices = #map}, {transform_indices = #map1}, {transform_indices = #map}]} {
    %mul3A = arith.constant 2 : i32
    %mul3A_0 = arith.muli %arg1, %mul3A : i32
    %add3A = arith.addi %mul3A_0, %arg0 : i32
    %mul3A_1 = arith.constant 64 : i32
    %mul3A_2 = arith.muli %add3A, %mul3A_1 : i32
    "tpu.region"() ({
      %run_scoped3A = tpu.sem_alloc : memref<!tpu.dma_semaphore, #tpu.memory_space<semaphore_mem>>
      %dma_start3A_7 = tpu.memref_slice %arg3[%mul3A_2] : memref<2048xi32, #tpu.memory_space<hbm>> -> memref<64xi32, #tpu.memory_space<hbm>>
      %dma_start3A_8 = tpu.memref_slice %arg3[%mul3A_2] : memref<2048xi32, #tpu.memory_space<hbm>> -> memref<64xi32, #tpu.memory_space<hbm>>
      tpu.enqueue_dma source(%dma_start3A_8 : memref<64xi32, #tpu.memory_space<hbm>>) target(%arg5 : memref<64xi32, #tpu.memory_space<vmem>>) target_semaphore(%run_scoped3A : memref<!tpu.dma_semaphore, #tpu.memory_space<semaphore_mem>>)
      %dma_wait3A_9 = tpu.memref_slice %arg3[%mul3A_2] : memref<2048xi32, #tpu.memory_space<hbm>> -> memref<64xi32, #tpu.memory_space<hbm>>
      %dma_wait3A_10 = tpu.memref_slice %arg3[%mul3A_2] : memref<2048xi32, #tpu.memory_space<hbm>> -> memref<64xi32, #tpu.memory_space<hbm>>
      tpu.wait_dma2 semaphore(%run_scoped3A : memref<!tpu.dma_semaphore, #tpu.memory_space<semaphore_mem>>) src(%dma_wait3A_10 : memref<64xi32, #tpu.memory_space<hbm>>) dst(%arg5 : memref<64xi32, #tpu.memory_space<vmem>>)
      tpu.yield
    }) : () -> ()
    %dma_start3A = arith.constant 0 : i32
    %dma_start3A_3 = arith.constant 0 : i32
    %dma_start3A_4 = tpu.memref_slice %arg2[%dma_start3A, %dma_start3A_3] : memref<3072x768xf32, #tpu.memory_space<hbm>> -> memref<3072x768xf32, #tpu.memory_space<hbm>>
    tpu.enqueue_indirect_dma source(%dma_start3A_4 : memref<3072x768xf32, #tpu.memory_space<hbm>>) target(%arg6 : memref<64x768xf32, #tpu.memory_space<vmem>>) offsets(%arg5 : memref<64xi32, #tpu.memory_space<vmem>>) semaphore(%arg7 : memref<!tpu.dma_semaphore, #tpu.memory_space<semaphore_mem>>)
    %dma_wait3A = arith.constant 0 : i32
    %dma_wait3A_5 = arith.constant 0 : i32
    %dma_wait3A_6 = tpu.memref_slice %arg2[%dma_wait3A, %dma_wait3A_5] : memref<3072x768xf32, #tpu.memory_space<hbm>> -> memref<3072x768xf32, #tpu.memory_space<hbm>>
    tpu.wait_indirect_dma semaphore(%arg7 : memref<!tpu.dma_semaphore, #tpu.memory_space<semaphore_mem>>) src(%dma_wait3A_6 : memref<3072x768xf32, #tpu.memory_space<hbm>>) dst(%arg6 : memref<64x768xf32, #tpu.memory_space<vmem>>)
    "tpu.region"() ({
      %run_scoped3A = tpu.sem_alloc : memref<!tpu.dma_semaphore, #tpu.memory_space<semaphore_mem>>
      %dma_start3A_7 = arith.constant 0 : i32
      %dma_start3A_8 = tpu.memref_slice %arg4[%mul3A_2, %dma_start3A_7] : memref<2048x768xf32, #tpu.memory_space<hbm>> -> memref<64x768xf32, #tpu.memory_space<hbm>>
      %dma_start3A_9 = arith.constant 0 : i32
      %dma_start3A_10 = tpu.memref_slice %arg4[%mul3A_2, %dma_start3A_9] : memref<2048x768xf32, #tpu.memory_space<hbm>> -> memref<64x768xf32, #tpu.memory_space<hbm>>
      tpu.enqueue_dma source(%arg6 : memref<64x768xf32, #tpu.memory_space<vmem>>) target(%dma_start3A_10 : memref<64x768xf32, #tpu.memory_space<hbm>>) target_semaphore(%run_scoped3A : memref<!tpu.dma_semaphore, #tpu.memory_space<semaphore_mem>>)
      %dma_wait3A_11 = arith.constant 0 : i32
      %dma_wait3A_12 = tpu.memref_slice %arg4[%mul3A_2, %dma_wait3A_11] : memref<2048x768xf32, #tpu.memory_space<hbm>> -> memref<64x768xf32, #tpu.memory_space<hbm>>
      %dma_wait3A_13 = arith.constant 0 : i32
      %dma_wait3A_14 = tpu.memref_slice %arg4[%mul3A_2, %dma_wait3A_13] : memref<2048x768xf32, #tpu.memory_space<hbm>> -> memref<64x768xf32, #tpu.memory_space<hbm>>
      tpu.wait_dma2 semaphore(%run_scoped3A : memref<!tpu.dma_semaphore, #tpu.memory_space<semaphore_mem>>) src(%arg6 : memref<64x768xf32, #tpu.memory_space<vmem>>) dst(%dma_wait3A_14 : memref<64x768xf32, #tpu.memory_space<hbm>>)
      tpu.yield
    }) : () -> ()
    return
  }
}

#map = affine_map<(d0, d1) -> (0, 0)>
#map1 = affine_map<(d0, d1) -> (0)>
module attributes {stable_mosaic.version = 14 : i64} {
  func.func @sc_regroup(%arg0: i32, %arg1: i32, %arg2: memref<3072x768xf32, #tpu.memory_space<hbm>>, %arg3: memref<2048xi32, #tpu.memory_space<hbm>>, %arg4: memref<2048xi32, #tpu.memory_space<hbm>>, %arg5: memref<2048x768xf32, #tpu.memory_space<hbm>>, %arg6: memref<3072x768xf32, #tpu.memory_space<hbm>>, %arg7: memref<64xi32, #tpu.memory_space<vmem>>, %arg8: memref<64xi32, #tpu.memory_space<vmem>>, %arg9: memref<64x768xf32, #tpu.memory_space<vmem>>, %arg10: memref<!tpu.dma_semaphore, #tpu.memory_space<semaphore_mem>>) attributes {dimension_semantics = [#tpu.dimension_semantics<core_parallel>, #tpu.dimension_semantics<subcore_parallel>], iteration_bounds = array<i64: 2, 16>, scalar_prefetch = 0 : i64, scratch_operands = 4 : i64, tpu.core_type = #tpu.core_type<sc_vector_subcore>, window_params = [{transform_indices = #map}, {transform_indices = #map1}, {transform_indices = #map1}, {transform_indices = #map}, {transform_indices = #map}]} {
    %mul3A = arith.constant 2 : i32
    %mul3A_0 = arith.muli %arg1, %mul3A : i32
    %add3A = arith.addi %mul3A_0, %arg0 : i32
    %mul3A_1 = arith.constant 64 : i32
    %mul3A_2 = arith.muli %add3A, %mul3A_1 : i32
    "tpu.region"() ({
      %run_scoped3A = tpu.sem_alloc : memref<!tpu.dma_semaphore, #tpu.memory_space<semaphore_mem>>
      %dma_start3A_13 = tpu.memref_slice %arg3[%mul3A_2] : memref<2048xi32, #tpu.memory_space<hbm>> -> memref<64xi32, #tpu.memory_space<hbm>>
      %dma_start3A_14 = tpu.memref_slice %arg3[%mul3A_2] : memref<2048xi32, #tpu.memory_space<hbm>> -> memref<64xi32, #tpu.memory_space<hbm>>
      tpu.enqueue_dma source(%dma_start3A_14 : memref<64xi32, #tpu.memory_space<hbm>>) target(%arg7 : memref<64xi32, #tpu.memory_space<vmem>>) target_semaphore(%run_scoped3A : memref<!tpu.dma_semaphore, #tpu.memory_space<semaphore_mem>>)
      %dma_wait3A_15 = tpu.memref_slice %arg3[%mul3A_2] : memref<2048xi32, #tpu.memory_space<hbm>> -> memref<64xi32, #tpu.memory_space<hbm>>
      %dma_wait3A_16 = tpu.memref_slice %arg3[%mul3A_2] : memref<2048xi32, #tpu.memory_space<hbm>> -> memref<64xi32, #tpu.memory_space<hbm>>
      tpu.wait_dma2 semaphore(%run_scoped3A : memref<!tpu.dma_semaphore, #tpu.memory_space<semaphore_mem>>) src(%dma_wait3A_16 : memref<64xi32, #tpu.memory_space<hbm>>) dst(%arg7 : memref<64xi32, #tpu.memory_space<vmem>>)
      tpu.yield
    }) : () -> ()
    "tpu.region"() ({
      %run_scoped3A = tpu.sem_alloc : memref<!tpu.dma_semaphore, #tpu.memory_space<semaphore_mem>>
      %dma_start3A_13 = tpu.memref_slice %arg4[%mul3A_2] : memref<2048xi32, #tpu.memory_space<hbm>> -> memref<64xi32, #tpu.memory_space<hbm>>
      %dma_start3A_14 = tpu.memref_slice %arg4[%mul3A_2] : memref<2048xi32, #tpu.memory_space<hbm>> -> memref<64xi32, #tpu.memory_space<hbm>>
      tpu.enqueue_dma source(%dma_start3A_14 : memref<64xi32, #tpu.memory_space<hbm>>) target(%arg8 : memref<64xi32, #tpu.memory_space<vmem>>) target_semaphore(%run_scoped3A : memref<!tpu.dma_semaphore, #tpu.memory_space<semaphore_mem>>)
      %dma_wait3A_15 = tpu.memref_slice %arg4[%mul3A_2] : memref<2048xi32, #tpu.memory_space<hbm>> -> memref<64xi32, #tpu.memory_space<hbm>>
      %dma_wait3A_16 = tpu.memref_slice %arg4[%mul3A_2] : memref<2048xi32, #tpu.memory_space<hbm>> -> memref<64xi32, #tpu.memory_space<hbm>>
      tpu.wait_dma2 semaphore(%run_scoped3A : memref<!tpu.dma_semaphore, #tpu.memory_space<semaphore_mem>>) src(%dma_wait3A_16 : memref<64xi32, #tpu.memory_space<hbm>>) dst(%arg8 : memref<64xi32, #tpu.memory_space<vmem>>)
      tpu.yield
    }) : () -> ()
    %dma_start3A = arith.constant 0 : i32
    %dma_start3A_3 = arith.constant 0 : i32
    %dma_start3A_4 = tpu.memref_slice %arg2[%dma_start3A, %dma_start3A_3] : memref<3072x768xf32, #tpu.memory_space<hbm>> -> memref<3072x768xf32, #tpu.memory_space<hbm>>
    tpu.enqueue_indirect_dma source(%dma_start3A_4 : memref<3072x768xf32, #tpu.memory_space<hbm>>) target(%arg9 : memref<64x768xf32, #tpu.memory_space<vmem>>) offsets(%arg7 : memref<64xi32, #tpu.memory_space<vmem>>) semaphore(%arg10 : memref<!tpu.dma_semaphore, #tpu.memory_space<semaphore_mem>>)
    %dma_wait3A = arith.constant 0 : i32
    %dma_wait3A_5 = arith.constant 0 : i32
    %dma_wait3A_6 = tpu.memref_slice %arg2[%dma_wait3A, %dma_wait3A_5] : memref<3072x768xf32, #tpu.memory_space<hbm>> -> memref<3072x768xf32, #tpu.memory_space<hbm>>
    tpu.wait_indirect_dma semaphore(%arg10 : memref<!tpu.dma_semaphore, #tpu.memory_space<semaphore_mem>>) src(%dma_wait3A_6 : memref<3072x768xf32, #tpu.memory_space<hbm>>) dst(%arg9 : memref<64x768xf32, #tpu.memory_space<vmem>>)
    "tpu.region"() ({
      %run_scoped3A = tpu.sem_alloc : memref<!tpu.dma_semaphore, #tpu.memory_space<semaphore_mem>>
      %dma_start3A_13 = arith.constant 0 : i32
      %dma_start3A_14 = tpu.memref_slice %arg5[%mul3A_2, %dma_start3A_13] : memref<2048x768xf32, #tpu.memory_space<hbm>> -> memref<64x768xf32, #tpu.memory_space<hbm>>
      %dma_start3A_15 = arith.constant 0 : i32
      %dma_start3A_16 = tpu.memref_slice %arg5[%mul3A_2, %dma_start3A_15] : memref<2048x768xf32, #tpu.memory_space<hbm>> -> memref<64x768xf32, #tpu.memory_space<hbm>>
      tpu.enqueue_dma source(%arg9 : memref<64x768xf32, #tpu.memory_space<vmem>>) target(%dma_start3A_16 : memref<64x768xf32, #tpu.memory_space<hbm>>) target_semaphore(%run_scoped3A : memref<!tpu.dma_semaphore, #tpu.memory_space<semaphore_mem>>)
      %dma_wait3A_17 = arith.constant 0 : i32
      %dma_wait3A_18 = tpu.memref_slice %arg5[%mul3A_2, %dma_wait3A_17] : memref<2048x768xf32, #tpu.memory_space<hbm>> -> memref<64x768xf32, #tpu.memory_space<hbm>>
      %dma_wait3A_19 = arith.constant 0 : i32
      %dma_wait3A_20 = tpu.memref_slice %arg5[%mul3A_2, %dma_wait3A_19] : memref<2048x768xf32, #tpu.memory_space<hbm>> -> memref<64x768xf32, #tpu.memory_space<hbm>>
      tpu.wait_dma2 semaphore(%run_scoped3A : memref<!tpu.dma_semaphore, #tpu.memory_space<semaphore_mem>>) src(%arg9 : memref<64x768xf32, #tpu.memory_space<vmem>>) dst(%dma_wait3A_20 : memref<64x768xf32, #tpu.memory_space<hbm>>)
      tpu.yield
    }) : () -> ()
    %dma_start3A_7 = arith.constant 0 : i32
    %dma_start3A_8 = arith.constant 0 : i32
    %dma_start3A_9 = tpu.memref_slice %arg6[%dma_start3A_7, %dma_start3A_8] : memref<3072x768xf32, #tpu.memory_space<hbm>> -> memref<3072x768xf32, #tpu.memory_space<hbm>>
    tpu.enqueue_indirect_dma source(%arg9 : memref<64x768xf32, #tpu.memory_space<vmem>>) target(%dma_start3A_9 : memref<3072x768xf32, #tpu.memory_space<hbm>>) offsets(%arg8 : memref<64xi32, #tpu.memory_space<vmem>>) semaphore(%arg10 : memref<!tpu.dma_semaphore, #tpu.memory_space<semaphore_mem>>)
    %dma_wait3A_10 = arith.constant 0 : i32
    %dma_wait3A_11 = arith.constant 0 : i32
    %dma_wait3A_12 = tpu.memref_slice %arg6[%dma_wait3A_10, %dma_wait3A_11] : memref<3072x768xf32, #tpu.memory_space<hbm>> -> memref<3072x768xf32, #tpu.memory_space<hbm>>
    tpu.wait_indirect_dma semaphore(%arg10 : memref<!tpu.dma_semaphore, #tpu.memory_space<semaphore_mem>>) src(%arg9 : memref<64x768xf32, #tpu.memory_space<vmem>>) dst(%dma_wait3A_12 : memref<3072x768xf32, #tpu.memory_space<hbm>>)
    return
  }
}

#map = affine_map<(d0, d1) -> (0, 0)>
#map1 = affine_map<(d0, d1) -> (0)>
module attributes {stable_mosaic.version = 14 : i64} {
  func.func @sc_scatter_x(%arg0: i32, %arg1: i32, %arg2: memref<2048x768xf32, #tpu.memory_space<hbm>>, %arg3: memref<2048xi32, #tpu.memory_space<hbm>>, %arg4: memref<3072x768xf32, #tpu.memory_space<hbm>>, %arg5: memref<64xi32, #tpu.memory_space<vmem>>, %arg6: memref<64x768xf32, #tpu.memory_space<vmem>>, %arg7: memref<!tpu.dma_semaphore, #tpu.memory_space<semaphore_mem>>) attributes {dimension_semantics = [#tpu.dimension_semantics<core_parallel>, #tpu.dimension_semantics<subcore_parallel>], iteration_bounds = array<i64: 2, 16>, scalar_prefetch = 0 : i64, scratch_operands = 3 : i64, tpu.core_type = #tpu.core_type<sc_vector_subcore>, window_params = [{transform_indices = #map}, {transform_indices = #map1}, {transform_indices = #map}]} {
    %mul3A = arith.constant 2 : i32
    %mul3A_0 = arith.muli %arg1, %mul3A : i32
    %add3A = arith.addi %mul3A_0, %arg0 : i32
    %mul3A_1 = arith.constant 64 : i32
    %mul3A_2 = arith.muli %add3A, %mul3A_1 : i32
    "tpu.region"() ({
      %run_scoped3A = tpu.sem_alloc : memref<!tpu.dma_semaphore, #tpu.memory_space<semaphore_mem>>
      %dma_start3A_7 = tpu.memref_slice %arg3[%mul3A_2] : memref<2048xi32, #tpu.memory_space<hbm>> -> memref<64xi32, #tpu.memory_space<hbm>>
      %dma_start3A_8 = tpu.memref_slice %arg3[%mul3A_2] : memref<2048xi32, #tpu.memory_space<hbm>> -> memref<64xi32, #tpu.memory_space<hbm>>
      tpu.enqueue_dma source(%dma_start3A_8 : memref<64xi32, #tpu.memory_space<hbm>>) target(%arg5 : memref<64xi32, #tpu.memory_space<vmem>>) target_semaphore(%run_scoped3A : memref<!tpu.dma_semaphore, #tpu.memory_space<semaphore_mem>>)
      %dma_wait3A_9 = tpu.memref_slice %arg3[%mul3A_2] : memref<2048xi32, #tpu.memory_space<hbm>> -> memref<64xi32, #tpu.memory_space<hbm>>
      %dma_wait3A_10 = tpu.memref_slice %arg3[%mul3A_2] : memref<2048xi32, #tpu.memory_space<hbm>> -> memref<64xi32, #tpu.memory_space<hbm>>
      tpu.wait_dma2 semaphore(%run_scoped3A : memref<!tpu.dma_semaphore, #tpu.memory_space<semaphore_mem>>) src(%dma_wait3A_10 : memref<64xi32, #tpu.memory_space<hbm>>) dst(%arg5 : memref<64xi32, #tpu.memory_space<vmem>>)
      tpu.yield
    }) : () -> ()
    "tpu.region"() ({
      %run_scoped3A = tpu.sem_alloc : memref<!tpu.dma_semaphore, #tpu.memory_space<semaphore_mem>>
      %dma_start3A_7 = arith.constant 0 : i32
      %dma_start3A_8 = tpu.memref_slice %arg2[%mul3A_2, %dma_start3A_7] : memref<2048x768xf32, #tpu.memory_space<hbm>> -> memref<64x768xf32, #tpu.memory_space<hbm>>
      %dma_start3A_9 = arith.constant 0 : i32
      %dma_start3A_10 = tpu.memref_slice %arg2[%mul3A_2, %dma_start3A_9] : memref<2048x768xf32, #tpu.memory_space<hbm>> -> memref<64x768xf32, #tpu.memory_space<hbm>>
      tpu.enqueue_dma source(%dma_start3A_10 : memref<64x768xf32, #tpu.memory_space<hbm>>) target(%arg6 : memref<64x768xf32, #tpu.memory_space<vmem>>) target_semaphore(%run_scoped3A : memref<!tpu.dma_semaphore, #tpu.memory_space<semaphore_mem>>)
      %dma_wait3A_11 = arith.constant 0 : i32
      %dma_wait3A_12 = tpu.memref_slice %arg2[%mul3A_2, %dma_wait3A_11] : memref<2048x768xf32, #tpu.memory_space<hbm>> -> memref<64x768xf32, #tpu.memory_space<hbm>>
      %dma_wait3A_13 = arith.constant 0 : i32
      %dma_wait3A_14 = tpu.memref_slice %arg2[%mul3A_2, %dma_wait3A_13] : memref<2048x768xf32, #tpu.memory_space<hbm>> -> memref<64x768xf32, #tpu.memory_space<hbm>>
      tpu.wait_dma2 semaphore(%run_scoped3A : memref<!tpu.dma_semaphore, #tpu.memory_space<semaphore_mem>>) src(%dma_wait3A_14 : memref<64x768xf32, #tpu.memory_space<hbm>>) dst(%arg6 : memref<64x768xf32, #tpu.memory_space<vmem>>)
      tpu.yield
    }) : () -> ()
    %dma_start3A = arith.constant 0 : i32
    %dma_start3A_3 = arith.constant 0 : i32
    %dma_start3A_4 = tpu.memref_slice %arg4[%dma_start3A, %dma_start3A_3] : memref<3072x768xf32, #tpu.memory_space<hbm>> -> memref<3072x768xf32, #tpu.memory_space<hbm>>
    tpu.enqueue_indirect_dma source(%arg6 : memref<64x768xf32, #tpu.memory_space<vmem>>) target(%dma_start3A_4 : memref<3072x768xf32, #tpu.memory_space<hbm>>) offsets(%arg5 : memref<64xi32, #tpu.memory_space<vmem>>) semaphore(%arg7 : memref<!tpu.dma_semaphore, #tpu.memory_space<semaphore_mem>>)
    %dma_wait3A = arith.constant 0 : i32
    %dma_wait3A_5 = arith.constant 0 : i32
    %dma_wait3A_6 = tpu.memref_slice %arg4[%dma_wait3A, %dma_wait3A_5] : memref<3072x768xf32, #tpu.memory_space<hbm>> -> memref<3072x768xf32, #tpu.memory_space<hbm>>
    tpu.wait_indirect_dma semaphore(%arg7 : memref<!tpu.dma_semaphore, #tpu.memory_space<semaphore_mem>>) src(%arg6 : memref<64x768xf32, #tpu.memory_space<vmem>>) dst(%dma_wait3A_6 : memref<3072x768xf32, #tpu.memory_space<hbm>>)
    return
  }
}

module attributes {stable_mosaic.version = 14 : i64} {
  func.func @_routing_kernel(%arg0: i32, %arg1: memref<2048x768xf32, #tpu.memory_space<vmem>>, %arg2: memref<768x8xf32, #tpu.memory_space<vmem>>, %arg3: memref<8xf32, #tpu.memory_space<vmem>>, %arg4: memref<2048x1xf32, #tpu.memory_space<vmem>>, %arg5: memref<2048x1xf32, #tpu.memory_space<vmem>>, %arg6: memref<2048x1xi32, #tpu.memory_space<vmem>>, %arg7: memref<2048x1xi32, #tpu.memory_space<vmem>>, %arg8: memref<24x1xi32, #tpu.memory_space<vmem>>, %arg9: memref<24x1xi32, #tpu.memory_space<vmem>>, %arg10: memref<24x1xi32, #tpu.memory_space<vmem>>, %arg11: memref<24x1xi32, #tpu.memory_space<vmem>>) attributes {dimension_semantics = [#tpu.dimension_semantics<arbitrary>], iteration_bounds = array<i64: 1>, scalar_prefetch = 0 : i64, scratch_operands = 0 : i64, tpu.core_type = #tpu.core_type<tc>, window_params = [{pipeline_mode = #tpu.pipeline_mode<synchronous>, transform_indices = @transform_0, window_bounds = array<i64: 2048, 768>}, {pipeline_mode = #tpu.pipeline_mode<synchronous>, transform_indices = @transform_1, window_bounds = array<i64: 768, 8>}, {pipeline_mode = #tpu.pipeline_mode<synchronous>, transform_indices = @transform_2, window_bounds = array<i64: 8>}, {pipeline_mode = #tpu.pipeline_mode<synchronous>, transform_indices = @transform_3, window_bounds = array<i64: 2048, 1>}, {pipeline_mode = #tpu.pipeline_mode<synchronous>, transform_indices = @transform_4, window_bounds = array<i64: 2048, 1>}, {pipeline_mode = #tpu.pipeline_mode<synchronous>, transform_indices = @transform_5, window_bounds = array<i64: 2048, 1>}, {pipeline_mode = #tpu.pipeline_mode<synchronous>, transform_indices = @transform_6, window_bounds = array<i64: 2048, 1>}, {pipeline_mode = #tpu.pipeline_mode<synchronous>, transform_indices = @transform_7, window_bounds = array<i64: 24, 1>}, {pipeline_mode = #tpu.pipeline_mode<synchronous>, transform_indices = @transform_8, window_bounds = array<i64: 24, 1>}, {pipeline_mode = #tpu.pipeline_mode<synchronous>, transform_indices = @transform_9, window_bounds = array<i64: 24, 1>}, {pipeline_mode = #tpu.pipeline_mode<synchronous>, transform_indices = @transform_10, window_bounds = array<i64: 24, 1>}]} {
    %get3A = arith.constant 0 : index
    %get3A_0 = arith.constant 0 : index
    %get3A_1 = vector.load %arg1[%get3A, %get3A_0] : memref<2048x768xf32, #tpu.memory_space<vmem>>, vector<2048x768xf32>
    %get3A_2 = arith.constant 0 : index
    %get3A_3 = arith.constant 0 : index
    %get3A_4 = vector.load %arg2[%get3A_2, %get3A_3] : memref<768x8xf32, #tpu.memory_space<vmem>>, vector<768x8xf32>
    %dot_general3A = arith.constant dense<0.000000e+00> : vector<2048x8xf32>
    %dot_general3A_5 = tpu.matmul %get3A_1, %get3A_4, %dot_general3A {dimension_numbers = #tpu.dot_dimension_numbers<[1], [0], [0], [1], [0, 0, 1, 1], [], []>, transpose_lhs_hint = false} : vector<2048x768xf32>, vector<768x8xf32>, vector<2048x8xf32> -> vector<2048x8xf32>
    %get3A_6 = arith.constant 0 : index
    %get3A_7 = vector.load %arg3[%get3A_6] : memref<8xf32, #tpu.memory_space<vmem>>, vector<8xf32>
    %broadcast_in_dim3A = vector.shape_cast %get3A_7 : vector<8xf32> to vector<1x8xf32>
    %add3A = vector.broadcast %broadcast_in_dim3A : vector<1x8xf32> to vector<2048x8xf32>
    %add3A_8 = arith.addf %dot_general3A_5, %add3A : vector<2048x8xf32>
    %reduce_max3A = arith.constant dense<0xFF800000> : vector<2048xf32>
    %reduce_max3A_9 = vector.multi_reduction <maximumf>, %add3A_8, %reduce_max3A [1] : vector<2048x8xf32> to vector<2048xf32>
    %broadcast_in_dim3A_10 = vector.shape_cast %reduce_max3A_9 : vector<2048xf32> to vector<2048x1xf32>
    %sub3A = vector.broadcast %broadcast_in_dim3A_10 : vector<2048x1xf32> to vector<2048x8xf32>
    %sub3A_11 = arith.subf %add3A_8, %sub3A : vector<2048x8xf32>
    %exp3A = math.exp %sub3A_11 : vector<2048x8xf32>
    %reduce_sum3A = arith.constant dense<0.000000e+00> : vector<2048xf32>
    %reduce_sum3A_12 = vector.multi_reduction <add>, %exp3A, %reduce_sum3A [1] : vector<2048x8xf32> to vector<2048xf32>
    %broadcast_in_dim3A_13 = vector.shape_cast %reduce_sum3A_12 : vector<2048xf32> to vector<2048x1xf32>
    %div3A = vector.broadcast %broadcast_in_dim3A_13 : vector<2048x1xf32> to vector<2048x8xf32>
    %div3A_14 = arith.divf %exp3A, %div3A : vector<2048x8xf32>
    %iota3A = tpu.iota {dimensions = array<i32: 1>} : vector<2048x8xi32>
    %reduce_max3A_15 = arith.constant dense<0xFF800000> : vector<2048xf32>
    %reduce_max3A_16 = vector.multi_reduction <maximumf>, %div3A_14, %reduce_max3A_15 [1] : vector<2048x8xf32> to vector<2048xf32>
    %broadcast_in_dim3A_17 = vector.shape_cast %reduce_max3A_16 : vector<2048xf32> to vector<2048x1xf32>
    %eq3A = vector.broadcast %broadcast_in_dim3A_17 : vector<2048x1xf32> to vector<2048x8xf32>
    %eq3A_18 = arith.cmpf oeq, %div3A_14, %eq3A : vector<2048x8xf32>
    %jit3A = arith.constant 8 : i32
    %broadcast_in_dim3A_19 = vector.broadcast %jit3A : i32 to vector<2048x8xi32>
    %select_n3A = arith.select %eq3A_18, %iota3A, %broadcast_in_dim3A_19 : vector<2048x8xi1>, vector<2048x8xi32>
    %reduce_min3A = arith.constant dense<2147483647> : vector<2048xi32>
    %reduce_min3A_20 = vector.multi_reduction <minsi>, %select_n3A, %reduce_min3A [1] : vector<2048x8xi32> to vector<2048xi32>
    %broadcast_in_dim3A_21 = vector.shape_cast %reduce_min3A_20 : vector<2048xi32> to vector<2048x1xi32>
    %eq3A_22 = vector.broadcast %broadcast_in_dim3A_21 : vector<2048x1xi32> to vector<2048x8xi32>
    %eq3A_23 = arith.cmpi eq, %iota3A, %eq3A_22 : vector<2048x8xi32>
    %jit3A_24 = arith.constant 0xFF800000 : f32
    %broadcast_in_dim3A_25 = vector.broadcast %jit3A_24 : f32 to vector<2048x8xf32>
    %select_n3A_26 = arith.select %eq3A_23, %broadcast_in_dim3A_25, %div3A_14 : vector<2048x8xi1>, vector<2048x8xf32>
    %reduce_max3A_27 = arith.constant dense<0xFF800000> : vector<2048xf32>
    %reduce_max3A_28 = vector.multi_reduction <maximumf>, %select_n3A_26, %reduce_max3A_27 [1] : vector<2048x8xf32> to vector<2048xf32>
    %broadcast_in_dim3A_29 = vector.shape_cast %reduce_max3A_28 : vector<2048xf32> to vector<2048x1xf32>
    %eq3A_30 = vector.broadcast %broadcast_in_dim3A_29 : vector<2048x1xf32> to vector<2048x8xf32>
    %eq3A_31 = arith.cmpf oeq, %select_n3A_26, %eq3A_30 : vector<2048x8xf32>
    %jit3A_32 = arith.constant 8 : i32
    %broadcast_in_dim3A_33 = vector.broadcast %jit3A_32 : i32 to vector<2048x8xi32>
    %select_n3A_34 = arith.select %eq3A_31, %iota3A, %broadcast_in_dim3A_33 : vector<2048x8xi1>, vector<2048x8xi32>
    %reduce_min3A_35 = arith.constant dense<2147483647> : vector<2048xi32>
    %reduce_min3A_36 = vector.multi_reduction <minsi>, %select_n3A_34, %reduce_min3A_35 [1] : vector<2048x8xi32> to vector<2048xi32>
    %broadcast_in_dim3A_37 = vector.shape_cast %reduce_min3A_36 : vector<2048xi32> to vector<2048x1xi32>
    %swap3A = arith.constant 0 : index
    %swap3A_38 = arith.constant 0 : index
    %swap3A_39 = vector.load %arg4[%swap3A, %swap3A_38] : memref<2048x1xf32, #tpu.memory_space<vmem>>, vector<2048x1xf32>
    tpu.vector_store %arg4[%swap3A, %swap3A_38], %broadcast_in_dim3A_17 {strides = array<i32>} : memref<2048x1xf32, #tpu.memory_space<vmem>>, vector<2048x1xf32>,
    %swap3A_40 = arith.constant 0 : index
    %swap3A_41 = arith.constant 0 : index
    %swap3A_42 = vector.load %arg5[%swap3A_40, %swap3A_41] : memref<2048x1xf32, #tpu.memory_space<vmem>>, vector<2048x1xf32>
    tpu.vector_store %arg5[%swap3A_40, %swap3A_41], %broadcast_in_dim3A_29 {strides = array<i32>} : memref<2048x1xf32, #tpu.memory_space<vmem>>, vector<2048x1xf32>,
    %iota3A_43 = tpu.iota {dimensions = array<i32: 0>} : vector<128x128xi32>
    %iota3A_44 = tpu.iota {dimensions = array<i32: 1>} : vector<128x128xi32>
    %lt3A = arith.cmpi slt, %iota3A_44, %iota3A_43 : vector<128x128xi32>
    %convert_element_type3A = arith.extui %lt3A : vector<128x128xi1> to vector<128x128xi32>
    %convert_element_type3A_45 = arith.sitofp %convert_element_type3A : vector<128x128xi32> to vector<128x128xf32>
    %iota3A_46 = tpu.iota {dimensions = array<i32: 0>} : vector<16x16xi32>
    %iota3A_47 = tpu.iota {dimensions = array<i32: 1>} : vector<16x16xi32>
    %lt3A_48 = arith.cmpi slt, %iota3A_47, %iota3A_46 : vector<16x16xi32>
    %convert_element_type3A_49 = arith.extui %lt3A_48 : vector<16x16xi1> to vector<16x16xi32>
    %convert_element_type3A_50 = arith.sitofp %convert_element_type3A_49 : vector<16x16xi32> to vector<16x16xf32>
    %iota3A_51 = tpu.iota {dimensions = array<i32: 0>} : vector<8x8xi32>
    %iota3A_52 = tpu.iota {dimensions = array<i32: 1>} : vector<8x8xi32>
    %lt3A_53 = arith.cmpi slt, %iota3A_51, %iota3A_52 : vector<8x8xi32>
    %convert_element_type3A_54 = arith.extui %lt3A_53 : vector<8x8xi1> to vector<8x8xi32>
    %convert_element_type3A_55 = arith.sitofp %convert_element_type3A_54 : vector<8x8xi32> to vector<8x8xf32>
    %eq3A_56 = vector.broadcast %broadcast_in_dim3A_21 : vector<2048x1xi32> to vector<2048x8xi32>
    %eq3A_57 = arith.cmpi eq, %iota3A, %eq3A_56 : vector<2048x8xi32>
    %convert_element_type3A_58 = arith.extui %eq3A_57 : vector<2048x8xi1> to vector<2048x8xi32>
    %convert_element_type3A_59 = arith.sitofp %convert_element_type3A_58 : vector<2048x8xi32> to vector<2048x8xf32>
    %slice3A = vector.extract_strided_slice %convert_element_type3A_59 {offsets = [0, 0], sizes = [128, 8], strides = [1, 1]} : vector<2048x8xf32> to vector<128x8xf32>
    %dot_general3A_60 = arith.constant dense<0.000000e+00> : vector<128x8xf32>
    %dot_general3A_61 = tpu.matmul %convert_element_type3A_45, %slice3A, %dot_general3A_60 {dimension_numbers = #tpu.dot_dimension_numbers<[1], [0], [0], [1], [0, 0, 1, 1], [], []>, transpose_lhs_hint = false} : vector<128x128xf32>, vector<128x8xf32>, vector<128x8xf32> -> vector<128x8xf32>
    %reduce_sum3A_62 = arith.constant dense<0.000000e+00> : vector<8xf32>
    %reduce_sum3A_63 = vector.multi_reduction <add>, %slice3A, %reduce_sum3A_62 [0] : vector<128x8xf32> to vector<8xf32>
    %broadcast_in_dim3A_64 = vector.shape_cast %reduce_sum3A_63 : vector<8xf32> to vector<1x8xf32>
    %slice3A_65 = vector.extract_strided_slice %convert_element_type3A_59 {offsets = [128, 0], sizes = [128, 8], strides = [1, 1]} : vector<2048x8xf32> to vector<128x8xf32>
    %dot_general3A_66 = arith.constant dense<0.000000e+00> : vector<128x8xf32>
    %dot_general3A_67 = tpu.matmul %convert_element_type3A_45, %slice3A_65, %dot_general3A_66 {dimension_numbers = #tpu.dot_dimension_numbers<[1], [0], [0], [1], [0, 0, 1, 1], [], []>, transpose_lhs_hint = false} : vector<128x128xf32>, vector<128x8xf32>, vector<128x8xf32> -> vector<128x8xf32>
    %reduce_sum3A_68 = arith.constant dense<0.000000e+00> : vector<8xf32>
    %reduce_sum3A_69 = vector.multi_reduction <add>, %slice3A_65, %reduce_sum3A_68 [0] : vector<128x8xf32> to vector<8xf32>
    %broadcast_in_dim3A_70 = vector.shape_cast %reduce_sum3A_69 : vector<8xf32> to vector<1x8xf32>
    %slice3A_71 = vector.extract_strided_slice %convert_element_type3A_59 {offsets = [256, 0], sizes = [128, 8], strides = [1, 1]} : vector<2048x8xf32> to vector<128x8xf32>
    %dot_general3A_72 = arith.constant dense<0.000000e+00> : vector<128x8xf32>
    %dot_general3A_73 = tpu.matmul %convert_element_type3A_45, %slice3A_71, %dot_general3A_72 {dimension_numbers = #tpu.dot_dimension_numbers<[1], [0], [0], [1], [0, 0, 1, 1], [], []>, transpose_lhs_hint = false} : vector<128x128xf32>, vector<128x8xf32>, vector<128x8xf32> -> vector<128x8xf32>
    %reduce_sum3A_74 = arith.constant dense<0.000000e+00> : vector<8xf32>
    %reduce_sum3A_75 = vector.multi_reduction <add>, %slice3A_71, %reduce_sum3A_74 [0] : vector<128x8xf32> to vector<8xf32>
    %broadcast_in_dim3A_76 = vector.shape_cast %reduce_sum3A_75 : vector<8xf32> to vector<1x8xf32>
    %slice3A_77 = vector.extract_strided_slice %convert_element_type3A_59 {offsets = [384, 0], sizes = [128, 8], strides = [1, 1]} : vector<2048x8xf32> to vector<128x8xf32>
    %dot_general3A_78 = arith.constant dense<0.000000e+00> : vector<128x8xf32>
    %dot_general3A_79 = tpu.matmul %convert_element_type3A_45, %slice3A_77, %dot_general3A_78 {dimension_numbers = #tpu.dot_dimension_numbers<[1], [0], [0], [1], [0, 0, 1, 1], [], []>, transpose_lhs_hint = false} : vector<128x128xf32>, vector<128x8xf32>, vector<128x8xf32> -> vector<128x8xf32>
    %reduce_sum3A_80 = arith.constant dense<0.000000e+00> : vector<8xf32>
    %reduce_sum3A_81 = vector.multi_reduction <add>, %slice3A_77, %reduce_sum3A_80 [0] : vector<128x8xf32> to vector<8xf32>
    %broadcast_in_dim3A_82 = vector.shape_cast %reduce_sum3A_81 : vector<8xf32> to vector<1x8xf32>
    %slice3A_83 = vector.extract_strided_slice %convert_element_type3A_59 {offsets = [512, 0], sizes = [128, 8], strides = [1, 1]} : vector<2048x8xf32> to vector<128x8xf32>
    %dot_general3A_84 = arith.constant dense<0.000000e+00> : vector<128x8xf32>
    %dot_general3A_85 = tpu.matmul %convert_element_type3A_45, %slice3A_83, %dot_general3A_84 {dimension_numbers = #tpu.dot_dimension_numbers<[1], [0], [0], [1], [0, 0, 1, 1], [], []>, transpose_lhs_hint = false} : vector<128x128xf32>, vector<128x8xf32>, vector<128x8xf32> -> vector<128x8xf32>
    %reduce_sum3A_86 = arith.constant dense<0.000000e+00> : vector<8xf32>
    %reduce_sum3A_87 = vector.multi_reduction <add>, %slice3A_83, %reduce_sum3A_86 [0] : vector<128x8xf32> to vector<8xf32>
    %broadcast_in_dim3A_88 = vector.shape_cast %reduce_sum3A_87 : vector<8xf32> to vector<1x8xf32>
    %slice3A_89 = vector.extract_strided_slice %convert_element_type3A_59 {offsets = [640, 0], sizes = [128, 8], strides = [1, 1]} : vector<2048x8xf32> to vector<128x8xf32>
    %dot_general3A_90 = arith.constant dense<0.000000e+00> : vector<128x8xf32>
    %dot_general3A_91 = tpu.matmul %convert_element_type3A_45, %slice3A_89, %dot_general3A_90 {dimension_numbers = #tpu.dot_dimension_numbers<[1], [0], [0], [1], [0, 0, 1, 1], [], []>, transpose_lhs_hint = false} : vector<128x128xf32>, vector<128x8xf32>, vector<128x8xf32> -> vector<128x8xf32>
    %reduce_sum3A_92 = arith.constant dense<0.000000e+00> : vector<8xf32>
    %reduce_sum3A_93 = vector.multi_reduction <add>, %slice3A_89, %reduce_sum3A_92 [0] : vector<128x8xf32> to vector<8xf32>
    %broadcast_in_dim3A_94 = vector.shape_cast %reduce_sum3A_93 : vector<8xf32> to vector<1x8xf32>
    %slice3A_95 = vector.extract_strided_slice %convert_element_type3A_59 {offsets = [768, 0], sizes = [128, 8], strides = [1, 1]} : vector<2048x8xf32> to vector<128x8xf32>
    %dot_general3A_96 = arith.constant dense<0.000000e+00> : vector<128x8xf32>
    %dot_general3A_97 = tpu.matmul %convert_element_type3A_45, %slice3A_95, %dot_general3A_96 {dimension_numbers = #tpu.dot_dimension_numbers<[1], [0], [0], [1], [0, 0, 1, 1], [], []>, transpose_lhs_hint = false} : vector<128x128xf32>, vector<128x8xf32>, vector<128x8xf32> -> vector<128x8xf32>
    %reduce_sum3A_98 = arith.constant dense<0.000000e+00> : vector<8xf32>
    %reduce_sum3A_99 = vector.multi_reduction <add>, %slice3A_95, %reduce_sum3A_98 [0] : vector<128x8xf32> to vector<8xf32>
    %broadcast_in_dim3A_100 = vector.shape_cast %reduce_sum3A_99 : vector<8xf32> to vector<1x8xf32>
    %slice3A_101 = vector.extract_strided_slice %convert_element_type3A_59 {offsets = [896, 0], sizes = [128, 8], strides = [1, 1]} : vector<2048x8xf32> to vector<128x8xf32>
    %dot_general3A_102 = arith.constant dense<0.000000e+00> : vector<128x8xf32>
    %dot_general3A_103 = tpu.matmul %convert_element_type3A_45, %slice3A_101, %dot_general3A_102 {dimension_numbers = #tpu.dot_dimension_numbers<[1], [0], [0], [1], [0, 0, 1, 1], [], []>, transpose_lhs_hint = false} : vector<128x128xf32>, vector<128x8xf32>, vector<128x8xf32> -> vector<128x8xf32>
    %reduce_sum3A_104 = arith.constant dense<0.000000e+00> : vector<8xf32>
    %reduce_sum3A_105 = vector.multi_reduction <add>, %slice3A_101, %reduce_sum3A_104 [0] : vector<128x8xf32> to vector<8xf32>
    %broadcast_in_dim3A_106 = vector.shape_cast %reduce_sum3A_105 : vector<8xf32> to vector<1x8xf32>
    %slice3A_107 = vector.extract_strided_slice %convert_element_type3A_59 {offsets = [1024, 0], sizes = [128, 8], strides = [1, 1]} : vector<2048x8xf32> to vector<128x8xf32>
    %dot_general3A_108 = arith.constant dense<0.000000e+00> : vector<128x8xf32>
    %dot_general3A_109 = tpu.matmul %convert_element_type3A_45, %slice3A_107, %dot_general3A_108 {dimension_numbers = #tpu.dot_dimension_numbers<[1], [0], [0], [1], [0, 0, 1, 1], [], []>, transpose_lhs_hint = false} : vector<128x128xf32>, vector<128x8xf32>, vector<128x8xf32> -> vector<128x8xf32>
    %reduce_sum3A_110 = arith.constant dense<0.000000e+00> : vector<8xf32>
    %reduce_sum3A_111 = vector.multi_reduction <add>, %slice3A_107, %reduce_sum3A_110 [0] : vector<128x8xf32> to vector<8xf32>
    %broadcast_in_dim3A_112 = vector.shape_cast %reduce_sum3A_111 : vector<8xf32> to vector<1x8xf32>
    %slice3A_113 = vector.extract_strided_slice %convert_element_type3A_59 {offsets = [1152, 0], sizes = [128, 8], strides = [1, 1]} : vector<2048x8xf32> to vector<128x8xf32>
    %dot_general3A_114 = arith.constant dense<0.000000e+00> : vector<128x8xf32>
    %dot_general3A_115 = tpu.matmul %convert_element_type3A_45, %slice3A_113, %dot_general3A_114 {dimension_numbers = #tpu.dot_dimension_numbers<[1], [0], [0], [1], [0, 0, 1, 1], [], []>, transpose_lhs_hint = false} : vector<128x128xf32>, vector<128x8xf32>, vector<128x8xf32> -> vector<128x8xf32>
    %reduce_sum3A_116 = arith.constant dense<0.000000e+00> : vector<8xf32>
    %reduce_sum3A_117 = vector.multi_reduction <add>, %slice3A_113, %reduce_sum3A_116 [0] : vector<128x8xf32> to vector<8xf32>
    %broadcast_in_dim3A_118 = vector.shape_cast %reduce_sum3A_117 : vector<8xf32> to vector<1x8xf32>
    %slice3A_119 = vector.extract_strided_slice %convert_element_type3A_59 {offsets = [1280, 0], sizes = [128, 8], strides = [1, 1]} : vector<2048x8xf32> to vector<128x8xf32>
    %dot_general3A_120 = arith.constant dense<0.000000e+00> : vector<128x8xf32>
    %dot_general3A_121 = tpu.matmul %convert_element_type3A_45, %slice3A_119, %dot_general3A_120 {dimension_numbers = #tpu.dot_dimension_numbers<[1], [0], [0], [1], [0, 0, 1, 1], [], []>, transpose_lhs_hint = false} : vector<128x128xf32>, vector<128x8xf32>, vector<128x8xf32> -> vector<128x8xf32>
    %reduce_sum3A_122 = arith.constant dense<0.000000e+00> : vector<8xf32>
    %reduce_sum3A_123 = vector.multi_reduction <add>, %slice3A_119, %reduce_sum3A_122 [0] : vector<128x8xf32> to vector<8xf32>
    %broadcast_in_dim3A_124 = vector.shape_cast %reduce_sum3A_123 : vector<8xf32> to vector<1x8xf32>
    %slice3A_125 = vector.extract_strided_slice %convert_element_type3A_59 {offsets = [1408, 0], sizes = [128, 8], strides = [1, 1]} : vector<2048x8xf32> to vector<128x8xf32>
    %dot_general3A_126 = arith.constant dense<0.000000e+00> : vector<128x8xf32>
    %dot_general3A_127 = tpu.matmul %convert_element_type3A_45, %slice3A_125, %dot_general3A_126 {dimension_numbers = #tpu.dot_dimension_numbers<[1], [0], [0], [1], [0, 0, 1, 1], [], []>, transpose_lhs_hint = false} : vector<128x128xf32>, vector<128x8xf32>, vector<128x8xf32> -> vector<128x8xf32>
    %reduce_sum3A_128 = arith.constant dense<0.000000e+00> : vector<8xf32>
    %reduce_sum3A_129 = vector.multi_reduction <add>, %slice3A_125, %reduce_sum3A_128 [0] : vector<128x8xf32> to vector<8xf32>
    %broadcast_in_dim3A_130 = vector.shape_cast %reduce_sum3A_129 : vector<8xf32> to vector<1x8xf32>
    %slice3A_131 = vector.extract_strided_slice %convert_element_type3A_59 {offsets = [1536, 0], sizes = [128, 8], strides = [1, 1]} : vector<2048x8xf32> to vector<128x8xf32>
    %dot_general3A_132 = arith.constant dense<0.000000e+00> : vector<128x8xf32>
    %dot_general3A_133 = tpu.matmul %convert_element_type3A_45, %slice3A_131, %dot_general3A_132 {dimension_numbers = #tpu.dot_dimension_numbers<[1], [0], [0], [1], [0, 0, 1, 1], [], []>, transpose_lhs_hint = false} : vector<128x128xf32>, vector<128x8xf32>, vector<128x8xf32> -> vector<128x8xf32>
    %reduce_sum3A_134 = arith.constant dense<0.000000e+00> : vector<8xf32>
    %reduce_sum3A_135 = vector.multi_reduction <add>, %slice3A_131, %reduce_sum3A_134 [0] : vector<128x8xf32> to vector<8xf32>
    %broadcast_in_dim3A_136 = vector.shape_cast %reduce_sum3A_135 : vector<8xf32> to vector<1x8xf32>
    %slice3A_137 = vector.extract_strided_slice %convert_element_type3A_59 {offsets = [1664, 0], sizes = [128, 8], strides = [1, 1]} : vector<2048x8xf32> to vector<128x8xf32>
    %dot_general3A_138 = arith.constant dense<0.000000e+00> : vector<128x8xf32>
    %dot_general3A_139 = tpu.matmul %convert_element_type3A_45, %slice3A_137, %dot_general3A_138 {dimension_numbers = #tpu.dot_dimension_numbers<[1], [0], [0], [1], [0, 0, 1, 1], [], []>, transpose_lhs_hint = false} : vector<128x128xf32>, vector<128x8xf32>, vector<128x8xf32> -> vector<128x8xf32>
    %reduce_sum3A_140 = arith.constant dense<0.000000e+00> : vector<8xf32>
    %reduce_sum3A_141 = vector.multi_reduction <add>, %slice3A_137, %reduce_sum3A_140 [0] : vector<128x8xf32> to vector<8xf32>
    %broadcast_in_dim3A_142 = vector.shape_cast %reduce_sum3A_141 : vector<8xf32> to vector<1x8xf32>
    %slice3A_143 = vector.extract_strided_slice %convert_element_type3A_59 {offsets = [1792, 0], sizes = [128, 8], strides = [1, 1]} : vector<2048x8xf32> to vector<128x8xf32>
    %dot_general3A_144 = arith.constant dense<0.000000e+00> : vector<128x8xf32>
    %dot_general3A_145 = tpu.matmul %convert_element_type3A_45, %slice3A_143, %dot_general3A_144 {dimension_numbers = #tpu.dot_dimension_numbers<[1], [0], [0], [1], [0, 0, 1, 1], [], []>, transpose_lhs_hint = false} : vector<128x128xf32>, vector<128x8xf32>, vector<128x8xf32> -> vector<128x8xf32>
    %reduce_sum3A_146 = arith.constant dense<0.000000e+00> : vector<8xf32>
    %reduce_sum3A_147 = vector.multi_reduction <add>, %slice3A_143, %reduce_sum3A_146 [0] : vector<128x8xf32> to vector<8xf32>
    %broadcast_in_dim3A_148 = vector.shape_cast %reduce_sum3A_147 : vector<8xf32> to vector<1x8xf32>
    %slice3A_149 = vector.extract_strided_slice %convert_element_type3A_59 {offsets = [1920, 0], sizes = [128, 8], strides = [1, 1]} : vector<2048x8xf32> to vector<128x8xf32>
    %dot_general3A_150 = arith.constant dense<0.000000e+00> : vector<128x8xf32>
    %dot_general3A_151 = tpu.matmul %convert_element_type3A_45, %slice3A_149, %dot_general3A_150 {dimension_numbers = #tpu.dot_dimension_numbers<[1], [0], [0], [1], [0, 0, 1, 1], [], []>, transpose_lhs_hint = false} : vector<128x128xf32>, vector<128x8xf32>, vector<128x8xf32> -> vector<128x8xf32>
    %reduce_sum3A_152 = arith.constant dense<0.000000e+00> : vector<8xf32>
    %reduce_sum3A_153 = vector.multi_reduction <add>, %slice3A_149, %reduce_sum3A_152 [0] : vector<128x8xf32> to vector<8xf32>
    %broadcast_in_dim3A_154 = vector.shape_cast %reduce_sum3A_153 : vector<8xf32> to vector<1x8xf32>
    %concatenate3A = tpu.concatenate %broadcast_in_dim3A_64, %broadcast_in_dim3A_70, %broadcast_in_dim3A_76, %broadcast_in_dim3A_82, %broadcast_in_dim3A_88, %broadcast_in_dim3A_94, %broadcast_in_dim3A_100, %broadcast_in_dim3A_106, %broadcast_in_dim3A_112, %broadcast_in_dim3A_118, %broadcast_in_dim3A_124, %broadcast_in_dim3A_130, %broadcast_in_dim3A_136, %broadcast_in_dim3A_142, %broadcast_in_dim3A_148, %broadcast_in_dim3A_154 in 0 : vector<1x8xf32>, vector<1x8xf32>, vector<1x8xf32>, vector<1x8xf32>, vector<1x8xf32>, vector<1x8xf32>, vector<1x8xf32>, vector<1x8xf32>, vector<1x8xf32>, vector<1x8xf32>, vector<1x8xf32>, vector<1x8xf32>, vector<1x8xf32>, vector<1x8xf32>, vector<1x8xf32>, vector<1x8xf32> -> vector<16x8xf32>
    %dot_general3A_155 = arith.constant dense<0.000000e+00> : vector<16x8xf32>
    %dot_general3A_156 = tpu.matmul %convert_element_type3A_50, %concatenate3A, %dot_general3A_155 {dimension_numbers = #tpu.dot_dimension_numbers<[1], [0], [0], [1], [0, 0, 1, 1], [], []>, transpose_lhs_hint = false} : vector<16x16xf32>, vector<16x8xf32>, vector<16x8xf32> -> vector<16x8xf32>
    %slice3A_157 = vector.extract_strided_slice %dot_general3A_156 {offsets = [0, 0], sizes = [1, 8], strides = [1, 1]} : vector<16x8xf32> to vector<1x8xf32>
    %add3A_158 = vector.broadcast %slice3A_157 : vector<1x8xf32> to vector<128x8xf32>
    %add3A_159 = arith.addf %dot_general3A_61, %add3A_158 : vector<128x8xf32>
    %slice3A_160 = vector.extract_strided_slice %dot_general3A_156 {offsets = [1, 0], sizes = [1, 8], strides = [1, 1]} : vector<16x8xf32> to vector<1x8xf32>
    %add3A_161 = vector.broadcast %slice3A_160 : vector<1x8xf32> to vector<128x8xf32>
    %add3A_162 = arith.addf %dot_general3A_67, %add3A_161 : vector<128x8xf32>
    %slice3A_163 = vector.extract_strided_slice %dot_general3A_156 {offsets = [2, 0], sizes = [1, 8], strides = [1, 1]} : vector<16x8xf32> to vector<1x8xf32>
    %add3A_164 = vector.broadcast %slice3A_163 : vector<1x8xf32> to vector<128x8xf32>
    %add3A_165 = arith.addf %dot_general3A_73, %add3A_164 : vector<128x8xf32>
    %slice3A_166 = vector.extract_strided_slice %dot_general3A_156 {offsets = [3, 0], sizes = [1, 8], strides = [1, 1]} : vector<16x8xf32> to vector<1x8xf32>
    %add3A_167 = vector.broadcast %slice3A_166 : vector<1x8xf32> to vector<128x8xf32>
    %add3A_168 = arith.addf %dot_general3A_79, %add3A_167 : vector<128x8xf32>
    %slice3A_169 = vector.extract_strided_slice %dot_general3A_156 {offsets = [4, 0], sizes = [1, 8], strides = [1, 1]} : vector<16x8xf32> to vector<1x8xf32>
    %add3A_170 = vector.broadcast %slice3A_169 : vector<1x8xf32> to vector<128x8xf32>
    %add3A_171 = arith.addf %dot_general3A_85, %add3A_170 : vector<128x8xf32>
    %slice3A_172 = vector.extract_strided_slice %dot_general3A_156 {offsets = [5, 0], sizes = [1, 8], strides = [1, 1]} : vector<16x8xf32> to vector<1x8xf32>
    %add3A_173 = vector.broadcast %slice3A_172 : vector<1x8xf32> to vector<128x8xf32>
    %add3A_174 = arith.addf %dot_general3A_91, %add3A_173 : vector<128x8xf32>
    %slice3A_175 = vector.extract_strided_slice %dot_general3A_156 {offsets = [6, 0], sizes = [1, 8], strides = [1, 1]} : vector<16x8xf32> to vector<1x8xf32>
    %add3A_176 = vector.broadcast %slice3A_175 : vector<1x8xf32> to vector<128x8xf32>
    %add3A_177 = arith.addf %dot_general3A_97, %add3A_176 : vector<128x8xf32>
    %slice3A_178 = vector.extract_strided_slice %dot_general3A_156 {offsets = [7, 0], sizes = [1, 8], strides = [1, 1]} : vector<16x8xf32> to vector<1x8xf32>
    %add3A_179 = vector.broadcast %slice3A_178 : vector<1x8xf32> to vector<128x8xf32>
    %add3A_180 = arith.addf %dot_general3A_103, %add3A_179 : vector<128x8xf32>
    %slice3A_181 = vector.extract_strided_slice %dot_general3A_156 {offsets = [8, 0], sizes = [1, 8], strides = [1, 1]} : vector<16x8xf32> to vector<1x8xf32>
    %add3A_182 = vector.broadcast %slice3A_181 : vector<1x8xf32> to vector<128x8xf32>
    %add3A_183 = arith.addf %dot_general3A_109, %add3A_182 : vector<128x8xf32>
    %slice3A_184 = vector.extract_strided_slice %dot_general3A_156 {offsets = [9, 0], sizes = [1, 8], strides = [1, 1]} : vector<16x8xf32> to vector<1x8xf32>
    %add3A_185 = vector.broadcast %slice3A_184 : vector<1x8xf32> to vector<128x8xf32>
    %add3A_186 = arith.addf %dot_general3A_115, %add3A_185 : vector<128x8xf32>
    %slice3A_187 = vector.extract_strided_slice %dot_general3A_156 {offsets = [10, 0], sizes = [1, 8], strides = [1, 1]} : vector<16x8xf32> to vector<1x8xf32>
    %add3A_188 = vector.broadcast %slice3A_187 : vector<1x8xf32> to vector<128x8xf32>
    %add3A_189 = arith.addf %dot_general3A_121, %add3A_188 : vector<128x8xf32>
    %slice3A_190 = vector.extract_strided_slice %dot_general3A_156 {offsets = [11, 0], sizes = [1, 8], strides = [1, 1]} : vector<16x8xf32> to vector<1x8xf32>
    %add3A_191 = vector.broadcast %slice3A_190 : vector<1x8xf32> to vector<128x8xf32>
    %add3A_192 = arith.addf %dot_general3A_127, %add3A_191 : vector<128x8xf32>
    %slice3A_193 = vector.extract_strided_slice %dot_general3A_156 {offsets = [12, 0], sizes = [1, 8], strides = [1, 1]} : vector<16x8xf32> to vector<1x8xf32>
    %add3A_194 = vector.broadcast %slice3A_193 : vector<1x8xf32> to vector<128x8xf32>
    %add3A_195 = arith.addf %dot_general3A_133, %add3A_194 : vector<128x8xf32>
    %slice3A_196 = vector.extract_strided_slice %dot_general3A_156 {offsets = [13, 0], sizes = [1, 8], strides = [1, 1]} : vector<16x8xf32> to vector<1x8xf32>
    %add3A_197 = vector.broadcast %slice3A_196 : vector<1x8xf32> to vector<128x8xf32>
    %add3A_198 = arith.addf %dot_general3A_139, %add3A_197 : vector<128x8xf32>
    %slice3A_199 = vector.extract_strided_slice %dot_general3A_156 {offsets = [14, 0], sizes = [1, 8], strides = [1, 1]} : vector<16x8xf32> to vector<1x8xf32>
    %add3A_200 = vector.broadcast %slice3A_199 : vector<1x8xf32> to vector<128x8xf32>
    %add3A_201 = arith.addf %dot_general3A_145, %add3A_200 : vector<128x8xf32>
    %slice3A_202 = vector.extract_strided_slice %dot_general3A_156 {offsets = [15, 0], sizes = [1, 8], strides = [1, 1]} : vector<16x8xf32> to vector<1x8xf32>
    %add3A_203 = vector.broadcast %slice3A_202 : vector<1x8xf32> to vector<128x8xf32>
    %add3A_204 = arith.addf %dot_general3A_151, %add3A_203 : vector<128x8xf32>
    %concatenate3A_205 = tpu.concatenate %add3A_159, %add3A_162, %add3A_165, %add3A_168, %add3A_171, %add3A_174, %add3A_177, %add3A_180, %add3A_183, %add3A_186, %add3A_189, %add3A_192, %add3A_195, %add3A_198, %add3A_201, %add3A_204 in 0 : vector<128x8xf32>, vector<128x8xf32>, vector<128x8xf32>, vector<128x8xf32>, vector<128x8xf32>, vector<128x8xf32>, vector<128x8xf32>, vector<128x8xf32>, vector<128x8xf32>, vector<128x8xf32>, vector<128x8xf32>, vector<128x8xf32>, vector<128x8xf32>, vector<128x8xf32>, vector<128x8xf32>, vector<128x8xf32> -> vector<2048x8xf32>
    %reduce_sum3A_206 = arith.constant dense<0.000000e+00> : vector<8xf32>
    %reduce_sum3A_207 = vector.multi_reduction <add>, %concatenate3A, %reduce_sum3A_206 [0] : vector<16x8xf32> to vector<8xf32>
    %broadcast_in_dim3A_208 = vector.shape_cast %reduce_sum3A_207 : vector<8xf32> to vector<1x8xf32>
    %div3A_209 = arith.constant 1.280000e+02 : f32
    %div3A_210 = vector.broadcast %div3A_209 : f32 to vector<1x8xf32>
    %div3A_211 = arith.divf %broadcast_in_dim3A_208, %div3A_210 : vector<1x8xf32>
    %ceil3A = math.ceil %div3A_211 : vector<1x8xf32>
    %mul3A = arith.constant 1.280000e+02 : f32
    %mul3A_212 = vector.broadcast %mul3A : f32 to vector<1x8xf32>
    %mul3A_213 = arith.mulf %ceil3A, %mul3A_212 : vector<1x8xf32>
    %dot_general3A_214 = arith.constant dense<0.000000e+00> : vector<1x8xf32>
    %dot_general3A_215 = tpu.matmul %mul3A_213, %convert_element_type3A_55, %dot_general3A_214 {dimension_numbers = #tpu.dot_dimension_numbers<[1], [0], [0], [1], [0, 0, 1, 1], [], []>, transpose_lhs_hint = false} : vector<1x8xf32>, vector<8x8xf32>, vector<1x8xf32> -> vector<1x8xf32>
    %add3A_216 = vector.broadcast %dot_general3A_215 : vector<1x8xf32> to vector<2048x8xf32>
    %add3A_217 = arith.addf %concatenate3A_205, %add3A_216 : vector<2048x8xf32>
    %mul3A_218 = arith.mulf %convert_element_type3A_59, %add3A_217 : vector<2048x8xf32>
    %reduce_sum3A_219 = arith.constant dense<0.000000e+00> : vector<2048xf32>
    %reduce_sum3A_220 = vector.multi_reduction <add>, %mul3A_218, %reduce_sum3A_219 [1] : vector<2048x8xf32> to vector<2048xf32>
    %broadcast_in_dim3A_221 = vector.shape_cast %reduce_sum3A_220 : vector<2048xf32> to vector<2048x1xf32>
    %convert_element_type3A_222 = arith.fptosi %broadcast_in_dim3A_221 : vector<2048x1xf32> to vector<2048x1xi32>
    %swap3A_223 = arith.constant 0 : index
    %swap3A_224 = arith.constant 0 : index
    %swap3A_225 = vector.load %arg6[%swap3A_223, %swap3A_224] : memref<2048x1xi32, #tpu.memory_space<vmem>>, vector<2048x1xi32>
    tpu.vector_store %arg6[%swap3A_223, %swap3A_224], %convert_element_type3A_222 {strides = array<i32>} : memref<2048x1xi32, #tpu.memory_space<vmem>>, vector<2048x1xi32>,
    %reduce_sum3A_226 = arith.constant dense<0.000000e+00> : vector<1xf32>
    %reduce_sum3A_227 = vector.multi_reduction <add>, %mul3A_213, %reduce_sum3A_226 [1] : vector<1x8xf32> to vector<1xf32>
    %broadcast_in_dim3A_228 = vector.shape_cast %reduce_sum3A_227 : vector<1xf32> to vector<1x1xf32>
    %iota3A_229 = tpu.iota {dimensions = array<i32: 0>} : vector<24x8xi32>
    %mul3A_230 = arith.constant 128 : i32
    %mul3A_231 = vector.broadcast %mul3A_230 : i32 to vector<24x8xi32>
    %mul3A_232 = arith.muli %iota3A_229, %mul3A_231 : vector<24x8xi32>
    %convert_element_type3A_233 = arith.sitofp %mul3A_232 : vector<24x8xi32> to vector<24x8xf32>
    %le3A = vector.broadcast %dot_general3A_215 : vector<1x8xf32> to vector<24x8xf32>
    %le3A_234 = arith.cmpf ole, %le3A, %convert_element_type3A_233 : vector<24x8xf32>
    %convert_element_type3A_235 = arith.extui %le3A_234 : vector<24x8xi1> to vector<24x8xi32>
    %convert_element_type3A_236 = arith.sitofp %convert_element_type3A_235 : vector<24x8xi32> to vector<24x8xf32>
    %reduce_sum3A_237 = arith.constant dense<0.000000e+00> : vector<24xf32>
    %reduce_sum3A_238 = vector.multi_reduction <add>, %convert_element_type3A_236, %reduce_sum3A_237 [1] : vector<24x8xf32> to vector<24xf32>
    %broadcast_in_dim3A_239 = vector.shape_cast %reduce_sum3A_238 : vector<24xf32> to vector<24x1xf32>
    %sub3A_240 = arith.constant 1.000000e+00 : f32
    %sub3A_241 = vector.broadcast %sub3A_240 : f32 to vector<24x1xf32>
    %sub3A_242 = arith.subf %broadcast_in_dim3A_239, %sub3A_241 : vector<24x1xf32>
    %jit3A_243 = arith.constant 0.000000e+00 : f32
    %jit3A_244 = arith.constant 7 : i32
    %max3A = vector.broadcast %jit3A_243 : f32 to vector<24x1xf32>
    %max3A_245 = arith.maximumf %max3A, %sub3A_242 : vector<24x1xf32>
    %convert_element_type3A_246 = arith.sitofp %jit3A_244 : i32 to f32
    %min3A = vector.broadcast %convert_element_type3A_246 : f32 to vector<24x1xf32>
    %min3A_247 = arith.minimumf %min3A, %max3A_245 : vector<24x1xf32>
    %convert_element_type3A_248 = arith.fptosi %min3A_247 : vector<24x1xf32> to vector<24x1xi32>
    %swap3A_249 = arith.constant 0 : index
    %swap3A_250 = arith.constant 0 : index
    %swap3A_251 = vector.load %arg8[%swap3A_249, %swap3A_250] : memref<24x1xi32, #tpu.memory_space<vmem>>, vector<24x1xi32>
    tpu.vector_store %arg8[%swap3A_249, %swap3A_250], %convert_element_type3A_248 {strides = array<i32>} : memref<24x1xi32, #tpu.memory_space<vmem>>, vector<24x1xi32>,
    %iota3A_252 = tpu.iota {dimensions = array<i32: 0>} : vector<24x1xi32>
    %mul3A_253 = arith.constant 128 : i32
    %mul3A_254 = vector.broadcast %mul3A_253 : i32 to vector<24x1xi32>
    %mul3A_255 = arith.muli %iota3A_252, %mul3A_254 : vector<24x1xi32>
    %convert_element_type3A_256 = arith.sitofp %mul3A_255 : vector<24x1xi32> to vector<24x1xf32>
    %lt3A_257 = vector.broadcast %broadcast_in_dim3A_228 : vector<1x1xf32> to vector<24x1xf32>
    %lt3A_258 = arith.cmpf olt, %convert_element_type3A_256, %lt3A_257 : vector<24x1xf32>
    %convert_element_type3A_259 = arith.extui %lt3A_258 : vector<24x1xi1> to vector<24x1xi32>
    %swap3A_260 = arith.constant 0 : index
    %swap3A_261 = arith.constant 0 : index
    %swap3A_262 = vector.load %arg9[%swap3A_260, %swap3A_261] : memref<24x1xi32, #tpu.memory_space<vmem>>, vector<24x1xi32>
    tpu.vector_store %arg9[%swap3A_260, %swap3A_261], %convert_element_type3A_259 {strides = array<i32>} : memref<24x1xi32, #tpu.memory_space<vmem>>, vector<24x1xi32>,
    %eq3A_263 = vector.broadcast %broadcast_in_dim3A_37 : vector<2048x1xi32> to vector<2048x8xi32>
    %eq3A_264 = arith.cmpi eq, %iota3A, %eq3A_263 : vector<2048x8xi32>
    %convert_element_type3A_265 = arith.extui %eq3A_264 : vector<2048x8xi1> to vector<2048x8xi32>
    %convert_element_type3A_266 = arith.sitofp %convert_element_type3A_265 : vector<2048x8xi32> to vector<2048x8xf32>
    %slice3A_267 = vector.extract_strided_slice %convert_element_type3A_266 {offsets = [0, 0], sizes = [128, 8], strides = [1, 1]} : vector<2048x8xf32> to vector<128x8xf32>
    %dot_general3A_268 = arith.constant dense<0.000000e+00> : vector<128x8xf32>
    %dot_general3A_269 = tpu.matmul %convert_element_type3A_45, %slice3A_267, %dot_general3A_268 {dimension_numbers = #tpu.dot_dimension_numbers<[1], [0], [0], [1], [0, 0, 1, 1], [], []>, transpose_lhs_hint = false} : vector<128x128xf32>, vector<128x8xf32>, vector<128x8xf32> -> vector<128x8xf32>
    %reduce_sum3A_270 = arith.constant dense<0.000000e+00> : vector<8xf32>
    %reduce_sum3A_271 = vector.multi_reduction <add>, %slice3A_267, %reduce_sum3A_270 [0] : vector<128x8xf32> to vector<8xf32>
    %broadcast_in_dim3A_272 = vector.shape_cast %reduce_sum3A_271 : vector<8xf32> to vector<1x8xf32>
    %slice3A_273 = vector.extract_strided_slice %convert_element_type3A_266 {offsets = [128, 0], sizes = [128, 8], strides = [1, 1]} : vector<2048x8xf32> to vector<128x8xf32>
    %dot_general3A_274 = arith.constant dense<0.000000e+00> : vector<128x8xf32>
    %dot_general3A_275 = tpu.matmul %convert_element_type3A_45, %slice3A_273, %dot_general3A_274 {dimension_numbers = #tpu.dot_dimension_numbers<[1], [0], [0], [1], [0, 0, 1, 1], [], []>, transpose_lhs_hint = false} : vector<128x128xf32>, vector<128x8xf32>, vector<128x8xf32> -> vector<128x8xf32>
    %reduce_sum3A_276 = arith.constant dense<0.000000e+00> : vector<8xf32>
    %reduce_sum3A_277 = vector.multi_reduction <add>, %slice3A_273, %reduce_sum3A_276 [0] : vector<128x8xf32> to vector<8xf32>
    %broadcast_in_dim3A_278 = vector.shape_cast %reduce_sum3A_277 : vector<8xf32> to vector<1x8xf32>
    %slice3A_279 = vector.extract_strided_slice %convert_element_type3A_266 {offsets = [256, 0], sizes = [128, 8], strides = [1, 1]} : vector<2048x8xf32> to vector<128x8xf32>
    %dot_general3A_280 = arith.constant dense<0.000000e+00> : vector<128x8xf32>
    %dot_general3A_281 = tpu.matmul %convert_element_type3A_45, %slice3A_279, %dot_general3A_280 {dimension_numbers = #tpu.dot_dimension_numbers<[1], [0], [0], [1], [0, 0, 1, 1], [], []>, transpose_lhs_hint = false} : vector<128x128xf32>, vector<128x8xf32>, vector<128x8xf32> -> vector<128x8xf32>
    %reduce_sum3A_282 = arith.constant dense<0.000000e+00> : vector<8xf32>
    %reduce_sum3A_283 = vector.multi_reduction <add>, %slice3A_279, %reduce_sum3A_282 [0] : vector<128x8xf32> to vector<8xf32>
    %broadcast_in_dim3A_284 = vector.shape_cast %reduce_sum3A_283 : vector<8xf32> to vector<1x8xf32>
    %slice3A_285 = vector.extract_strided_slice %convert_element_type3A_266 {offsets = [384, 0], sizes = [128, 8], strides = [1, 1]} : vector<2048x8xf32> to vector<128x8xf32>
    %dot_general3A_286 = arith.constant dense<0.000000e+00> : vector<128x8xf32>
    %dot_general3A_287 = tpu.matmul %convert_element_type3A_45, %slice3A_285, %dot_general3A_286 {dimension_numbers = #tpu.dot_dimension_numbers<[1], [0], [0], [1], [0, 0, 1, 1], [], []>, transpose_lhs_hint = false} : vector<128x128xf32>, vector<128x8xf32>, vector<128x8xf32> -> vector<128x8xf32>
    %reduce_sum3A_288 = arith.constant dense<0.000000e+00> : vector<8xf32>
    %reduce_sum3A_289 = vector.multi_reduction <add>, %slice3A_285, %reduce_sum3A_288 [0] : vector<128x8xf32> to vector<8xf32>
    %broadcast_in_dim3A_290 = vector.shape_cast %reduce_sum3A_289 : vector<8xf32> to vector<1x8xf32>
    %slice3A_291 = vector.extract_strided_slice %convert_element_type3A_266 {offsets = [512, 0], sizes = [128, 8], strides = [1, 1]} : vector<2048x8xf32> to vector<128x8xf32>
    %dot_general3A_292 = arith.constant dense<0.000000e+00> : vector<128x8xf32>
    %dot_general3A_293 = tpu.matmul %convert_element_type3A_45, %slice3A_291, %dot_general3A_292 {dimension_numbers = #tpu.dot_dimension_numbers<[1], [0], [0], [1], [0, 0, 1, 1], [], []>, transpose_lhs_hint = false} : vector<128x128xf32>, vector<128x8xf32>, vector<128x8xf32> -> vector<128x8xf32>
    %reduce_sum3A_294 = arith.constant dense<0.000000e+00> : vector<8xf32>
    %reduce_sum3A_295 = vector.multi_reduction <add>, %slice3A_291, %reduce_sum3A_294 [0] : vector<128x8xf32> to vector<8xf32>
    %broadcast_in_dim3A_296 = vector.shape_cast %reduce_sum3A_295 : vector<8xf32> to vector<1x8xf32>
    %slice3A_297 = vector.extract_strided_slice %convert_element_type3A_266 {offsets = [640, 0], sizes = [128, 8], strides = [1, 1]} : vector<2048x8xf32> to vector<128x8xf32>
    %dot_general3A_298 = arith.constant dense<0.000000e+00> : vector<128x8xf32>
    %dot_general3A_299 = tpu.matmul %convert_element_type3A_45, %slice3A_297, %dot_general3A_298 {dimension_numbers = #tpu.dot_dimension_numbers<[1], [0], [0], [1], [0, 0, 1, 1], [], []>, transpose_lhs_hint = false} : vector<128x128xf32>, vector<128x8xf32>, vector<128x8xf32> -> vector<128x8xf32>
    %reduce_sum3A_300 = arith.constant dense<0.000000e+00> : vector<8xf32>
    %reduce_sum3A_301 = vector.multi_reduction <add>, %slice3A_297, %reduce_sum3A_300 [0] : vector<128x8xf32> to vector<8xf32>
    %broadcast_in_dim3A_302 = vector.shape_cast %reduce_sum3A_301 : vector<8xf32> to vector<1x8xf32>
    %slice3A_303 = vector.extract_strided_slice %convert_element_type3A_266 {offsets = [768, 0], sizes = [128, 8], strides = [1, 1]} : vector<2048x8xf32> to vector<128x8xf32>
    %dot_general3A_304 = arith.constant dense<0.000000e+00> : vector<128x8xf32>
    %dot_general3A_305 = tpu.matmul %convert_element_type3A_45, %slice3A_303, %dot_general3A_304 {dimension_numbers = #tpu.dot_dimension_numbers<[1], [0], [0], [1], [0, 0, 1, 1], [], []>, transpose_lhs_hint = false} : vector<128x128xf32>, vector<128x8xf32>, vector<128x8xf32> -> vector<128x8xf32>
    %reduce_sum3A_306 = arith.constant dense<0.000000e+00> : vector<8xf32>
    %reduce_sum3A_307 = vector.multi_reduction <add>, %slice3A_303, %reduce_sum3A_306 [0] : vector<128x8xf32> to vector<8xf32>
    %broadcast_in_dim3A_308 = vector.shape_cast %reduce_sum3A_307 : vector<8xf32> to vector<1x8xf32>
    %slice3A_309 = vector.extract_strided_slice %convert_element_type3A_266 {offsets = [896, 0], sizes = [128, 8], strides = [1, 1]} : vector<2048x8xf32> to vector<128x8xf32>
    %dot_general3A_310 = arith.constant dense<0.000000e+00> : vector<128x8xf32>
    %dot_general3A_311 = tpu.matmul %convert_element_type3A_45, %slice3A_309, %dot_general3A_310 {dimension_numbers = #tpu.dot_dimension_numbers<[1], [0], [0], [1], [0, 0, 1, 1], [], []>, transpose_lhs_hint = false} : vector<128x128xf32>, vector<128x8xf32>, vector<128x8xf32> -> vector<128x8xf32>
    %reduce_sum3A_312 = arith.constant dense<0.000000e+00> : vector<8xf32>
    %reduce_sum3A_313 = vector.multi_reduction <add>, %slice3A_309, %reduce_sum3A_312 [0] : vector<128x8xf32> to vector<8xf32>
    %broadcast_in_dim3A_314 = vector.shape_cast %reduce_sum3A_313 : vector<8xf32> to vector<1x8xf32>
    %slice3A_315 = vector.extract_strided_slice %convert_element_type3A_266 {offsets = [1024, 0], sizes = [128, 8], strides = [1, 1]} : vector<2048x8xf32> to vector<128x8xf32>
    %dot_general3A_316 = arith.constant dense<0.000000e+00> : vector<128x8xf32>
    %dot_general3A_317 = tpu.matmul %convert_element_type3A_45, %slice3A_315, %dot_general3A_316 {dimension_numbers = #tpu.dot_dimension_numbers<[1], [0], [0], [1], [0, 0, 1, 1], [], []>, transpose_lhs_hint = false} : vector<128x128xf32>, vector<128x8xf32>, vector<128x8xf32> -> vector<128x8xf32>
    %reduce_sum3A_318 = arith.constant dense<0.000000e+00> : vector<8xf32>
    %reduce_sum3A_319 = vector.multi_reduction <add>, %slice3A_315, %reduce_sum3A_318 [0] : vector<128x8xf32> to vector<8xf32>
    %broadcast_in_dim3A_320 = vector.shape_cast %reduce_sum3A_319 : vector<8xf32> to vector<1x8xf32>
    %slice3A_321 = vector.extract_strided_slice %convert_element_type3A_266 {offsets = [1152, 0], sizes = [128, 8], strides = [1, 1]} : vector<2048x8xf32> to vector<128x8xf32>
    %dot_general3A_322 = arith.constant dense<0.000000e+00> : vector<128x8xf32>
    %dot_general3A_323 = tpu.matmul %convert_element_type3A_45, %slice3A_321, %dot_general3A_322 {dimension_numbers = #tpu.dot_dimension_numbers<[1], [0], [0], [1], [0, 0, 1, 1], [], []>, transpose_lhs_hint = false} : vector<128x128xf32>, vector<128x8xf32>, vector<128x8xf32> -> vector<128x8xf32>
    %reduce_sum3A_324 = arith.constant dense<0.000000e+00> : vector<8xf32>
    %reduce_sum3A_325 = vector.multi_reduction <add>, %slice3A_321, %reduce_sum3A_324 [0] : vector<128x8xf32> to vector<8xf32>
    %broadcast_in_dim3A_326 = vector.shape_cast %reduce_sum3A_325 : vector<8xf32> to vector<1x8xf32>
    %slice3A_327 = vector.extract_strided_slice %convert_element_type3A_266 {offsets = [1280, 0], sizes = [128, 8], strides = [1, 1]} : vector<2048x8xf32> to vector<128x8xf32>
    %dot_general3A_328 = arith.constant dense<0.000000e+00> : vector<128x8xf32>
    %dot_general3A_329 = tpu.matmul %convert_element_type3A_45, %slice3A_327, %dot_general3A_328 {dimension_numbers = #tpu.dot_dimension_numbers<[1], [0], [0], [1], [0, 0, 1, 1], [], []>, transpose_lhs_hint = false} : vector<128x128xf32>, vector<128x8xf32>, vector<128x8xf32> -> vector<128x8xf32>
    %reduce_sum3A_330 = arith.constant dense<0.000000e+00> : vector<8xf32>
    %reduce_sum3A_331 = vector.multi_reduction <add>, %slice3A_327, %reduce_sum3A_330 [0] : vector<128x8xf32> to vector<8xf32>
    %broadcast_in_dim3A_332 = vector.shape_cast %reduce_sum3A_331 : vector<8xf32> to vector<1x8xf32>
    %slice3A_333 = vector.extract_strided_slice %convert_element_type3A_266 {offsets = [1408, 0], sizes = [128, 8], strides = [1, 1]} : vector<2048x8xf32> to vector<128x8xf32>
    %dot_general3A_334 = arith.constant dense<0.000000e+00> : vector<128x8xf32>
    %dot_general3A_335 = tpu.matmul %convert_element_type3A_45, %slice3A_333, %dot_general3A_334 {dimension_numbers = #tpu.dot_dimension_numbers<[1], [0], [0], [1], [0, 0, 1, 1], [], []>, transpose_lhs_hint = false} : vector<128x128xf32>, vector<128x8xf32>, vector<128x8xf32> -> vector<128x8xf32>
    %reduce_sum3A_336 = arith.constant dense<0.000000e+00> : vector<8xf32>
    %reduce_sum3A_337 = vector.multi_reduction <add>, %slice3A_333, %reduce_sum3A_336 [0] : vector<128x8xf32> to vector<8xf32>
    %broadcast_in_dim3A_338 = vector.shape_cast %reduce_sum3A_337 : vector<8xf32> to vector<1x8xf32>
    %slice3A_339 = vector.extract_strided_slice %convert_element_type3A_266 {offsets = [1536, 0], sizes = [128, 8], strides = [1, 1]} : vector<2048x8xf32> to vector<128x8xf32>
    %dot_general3A_340 = arith.constant dense<0.000000e+00> : vector<128x8xf32>
    %dot_general3A_341 = tpu.matmul %convert_element_type3A_45, %slice3A_339, %dot_general3A_340 {dimension_numbers = #tpu.dot_dimension_numbers<[1], [0], [0], [1], [0, 0, 1, 1], [], []>, transpose_lhs_hint = false} : vector<128x128xf32>, vector<128x8xf32>, vector<128x8xf32> -> vector<128x8xf32>
    %reduce_sum3A_342 = arith.constant dense<0.000000e+00> : vector<8xf32>
    %reduce_sum3A_343 = vector.multi_reduction <add>, %slice3A_339, %reduce_sum3A_342 [0] : vector<128x8xf32> to vector<8xf32>
    %broadcast_in_dim3A_344 = vector.shape_cast %reduce_sum3A_343 : vector<8xf32> to vector<1x8xf32>
    %slice3A_345 = vector.extract_strided_slice %convert_element_type3A_266 {offsets = [1664, 0], sizes = [128, 8], strides = [1, 1]} : vector<2048x8xf32> to vector<128x8xf32>
    %dot_general3A_346 = arith.constant dense<0.000000e+00> : vector<128x8xf32>
    %dot_general3A_347 = tpu.matmul %convert_element_type3A_45, %slice3A_345, %dot_general3A_346 {dimension_numbers = #tpu.dot_dimension_numbers<[1], [0], [0], [1], [0, 0, 1, 1], [], []>, transpose_lhs_hint = false} : vector<128x128xf32>, vector<128x8xf32>, vector<128x8xf32> -> vector<128x8xf32>
    %reduce_sum3A_348 = arith.constant dense<0.000000e+00> : vector<8xf32>
    %reduce_sum3A_349 = vector.multi_reduction <add>, %slice3A_345, %reduce_sum3A_348 [0] : vector<128x8xf32> to vector<8xf32>
    %broadcast_in_dim3A_350 = vector.shape_cast %reduce_sum3A_349 : vector<8xf32> to vector<1x8xf32>
    %slice3A_351 = vector.extract_strided_slice %convert_element_type3A_266 {offsets = [1792, 0], sizes = [128, 8], strides = [1, 1]} : vector<2048x8xf32> to vector<128x8xf32>
    %dot_general3A_352 = arith.constant dense<0.000000e+00> : vector<128x8xf32>
    %dot_general3A_353 = tpu.matmul %convert_element_type3A_45, %slice3A_351, %dot_general3A_352 {dimension_numbers = #tpu.dot_dimension_numbers<[1], [0], [0], [1], [0, 0, 1, 1], [], []>, transpose_lhs_hint = false} : vector<128x128xf32>, vector<128x8xf32>, vector<128x8xf32> -> vector<128x8xf32>
    %reduce_sum3A_354 = arith.constant dense<0.000000e+00> : vector<8xf32>
    %reduce_sum3A_355 = vector.multi_reduction <add>, %slice3A_351, %reduce_sum3A_354 [0] : vector<128x8xf32> to vector<8xf32>
    %broadcast_in_dim3A_356 = vector.shape_cast %reduce_sum3A_355 : vector<8xf32> to vector<1x8xf32>
    %slice3A_357 = vector.extract_strided_slice %convert_element_type3A_266 {offsets = [1920, 0], sizes = [128, 8], strides = [1, 1]} : vector<2048x8xf32> to vector<128x8xf32>
    %dot_general3A_358 = arith.constant dense<0.000000e+00> : vector<128x8xf32>
    %dot_general3A_359 = tpu.matmul %convert_element_type3A_45, %slice3A_357, %dot_general3A_358 {dimension_numbers = #tpu.dot_dimension_numbers<[1], [0], [0], [1], [0, 0, 1, 1], [], []>, transpose_lhs_hint = false} : vector<128x128xf32>, vector<128x8xf32>, vector<128x8xf32> -> vector<128x8xf32>
    %reduce_sum3A_360 = arith.constant dense<0.000000e+00> : vector<8xf32>
    %reduce_sum3A_361 = vector.multi_reduction <add>, %slice3A_357, %reduce_sum3A_360 [0] : vector<128x8xf32> to vector<8xf32>
    %broadcast_in_dim3A_362 = vector.shape_cast %reduce_sum3A_361 : vector<8xf32> to vector<1x8xf32>
    %concatenate3A_363 = tpu.concatenate %broadcast_in_dim3A_272, %broadcast_in_dim3A_278, %broadcast_in_dim3A_284, %broadcast_in_dim3A_290, %broadcast_in_dim3A_296, %broadcast_in_dim3A_302, %broadcast_in_dim3A_308, %broadcast_in_dim3A_314, %broadcast_in_dim3A_320, %broadcast_in_dim3A_326, %broadcast_in_dim3A_332, %broadcast_in_dim3A_338, %broadcast_in_dim3A_344, %broadcast_in_dim3A_350, %broadcast_in_dim3A_356, %broadcast_in_dim3A_362 in 0 : vector<1x8xf32>, vector<1x8xf32>, vector<1x8xf32>, vector<1x8xf32>, vector<1x8xf32>, vector<1x8xf32>, vector<1x8xf32>, vector<1x8xf32>, vector<1x8xf32>, vector<1x8xf32>, vector<1x8xf32>, vector<1x8xf32>, vector<1x8xf32>, vector<1x8xf32>, vector<1x8xf32>, vector<1x8xf32> -> vector<16x8xf32>
    %dot_general3A_364 = arith.constant dense<0.000000e+00> : vector<16x8xf32>
    %dot_general3A_365 = tpu.matmul %convert_element_type3A_50, %concatenate3A_363, %dot_general3A_364 {dimension_numbers = #tpu.dot_dimension_numbers<[1], [0], [0], [1], [0, 0, 1, 1], [], []>, transpose_lhs_hint = false} : vector<16x16xf32>, vector<16x8xf32>, vector<16x8xf32> -> vector<16x8xf32>
    %slice3A_366 = vector.extract_strided_slice %dot_general3A_365 {offsets = [0, 0], sizes = [1, 8], strides = [1, 1]} : vector<16x8xf32> to vector<1x8xf32>
    %add3A_367 = vector.broadcast %slice3A_366 : vector<1x8xf32> to vector<128x8xf32>
    %add3A_368 = arith.addf %dot_general3A_269, %add3A_367 : vector<128x8xf32>
    %slice3A_369 = vector.extract_strided_slice %dot_general3A_365 {offsets = [1, 0], sizes = [1, 8], strides = [1, 1]} : vector<16x8xf32> to vector<1x8xf32>
    %add3A_370 = vector.broadcast %slice3A_369 : vector<1x8xf32> to vector<128x8xf32>
    %add3A_371 = arith.addf %dot_general3A_275, %add3A_370 : vector<128x8xf32>
    %slice3A_372 = vector.extract_strided_slice %dot_general3A_365 {offsets = [2, 0], sizes = [1, 8], strides = [1, 1]} : vector<16x8xf32> to vector<1x8xf32>
    %add3A_373 = vector.broadcast %slice3A_372 : vector<1x8xf32> to vector<128x8xf32>
    %add3A_374 = arith.addf %dot_general3A_281, %add3A_373 : vector<128x8xf32>
    %slice3A_375 = vector.extract_strided_slice %dot_general3A_365 {offsets = [3, 0], sizes = [1, 8], strides = [1, 1]} : vector<16x8xf32> to vector<1x8xf32>
    %add3A_376 = vector.broadcast %slice3A_375 : vector<1x8xf32> to vector<128x8xf32>
    %add3A_377 = arith.addf %dot_general3A_287, %add3A_376 : vector<128x8xf32>
    %slice3A_378 = vector.extract_strided_slice %dot_general3A_365 {offsets = [4, 0], sizes = [1, 8], strides = [1, 1]} : vector<16x8xf32> to vector<1x8xf32>
    %add3A_379 = vector.broadcast %slice3A_378 : vector<1x8xf32> to vector<128x8xf32>
    %add3A_380 = arith.addf %dot_general3A_293, %add3A_379 : vector<128x8xf32>
    %slice3A_381 = vector.extract_strided_slice %dot_general3A_365 {offsets = [5, 0], sizes = [1, 8], strides = [1, 1]} : vector<16x8xf32> to vector<1x8xf32>
    %add3A_382 = vector.broadcast %slice3A_381 : vector<1x8xf32> to vector<128x8xf32>
    %add3A_383 = arith.addf %dot_general3A_299, %add3A_382 : vector<128x8xf32>
    %slice3A_384 = vector.extract_strided_slice %dot_general3A_365 {offsets = [6, 0], sizes = [1, 8], strides = [1, 1]} : vector<16x8xf32> to vector<1x8xf32>
    %add3A_385 = vector.broadcast %slice3A_384 : vector<1x8xf32> to vector<128x8xf32>
    %add3A_386 = arith.addf %dot_general3A_305, %add3A_385 : vector<128x8xf32>
    %slice3A_387 = vector.extract_strided_slice %dot_general3A_365 {offsets = [7, 0], sizes = [1, 8], strides = [1, 1]} : vector<16x8xf32> to vector<1x8xf32>
    %add3A_388 = vector.broadcast %slice3A_387 : vector<1x8xf32> to vector<128x8xf32>
    %add3A_389 = arith.addf %dot_general3A_311, %add3A_388 : vector<128x8xf32>
    %slice3A_390 = vector.extract_strided_slice %dot_general3A_365 {offsets = [8, 0], sizes = [1, 8], strides = [1, 1]} : vector<16x8xf32> to vector<1x8xf32>
    %add3A_391 = vector.broadcast %slice3A_390 : vector<1x8xf32> to vector<128x8xf32>
    %add3A_392 = arith.addf %dot_general3A_317, %add3A_391 : vector<128x8xf32>
    %slice3A_393 = vector.extract_strided_slice %dot_general3A_365 {offsets = [9, 0], sizes = [1, 8], strides = [1, 1]} : vector<16x8xf32> to vector<1x8xf32>
    %add3A_394 = vector.broadcast %slice3A_393 : vector<1x8xf32> to vector<128x8xf32>
    %add3A_395 = arith.addf %dot_general3A_323, %add3A_394 : vector<128x8xf32>
    %slice3A_396 = vector.extract_strided_slice %dot_general3A_365 {offsets = [10, 0], sizes = [1, 8], strides = [1, 1]} : vector<16x8xf32> to vector<1x8xf32>
    %add3A_397 = vector.broadcast %slice3A_396 : vector<1x8xf32> to vector<128x8xf32>
    %add3A_398 = arith.addf %dot_general3A_329, %add3A_397 : vector<128x8xf32>
    %slice3A_399 = vector.extract_strided_slice %dot_general3A_365 {offsets = [11, 0], sizes = [1, 8], strides = [1, 1]} : vector<16x8xf32> to vector<1x8xf32>
    %add3A_400 = vector.broadcast %slice3A_399 : vector<1x8xf32> to vector<128x8xf32>
    %add3A_401 = arith.addf %dot_general3A_335, %add3A_400 : vector<128x8xf32>
    %slice3A_402 = vector.extract_strided_slice %dot_general3A_365 {offsets = [12, 0], sizes = [1, 8], strides = [1, 1]} : vector<16x8xf32> to vector<1x8xf32>
    %add3A_403 = vector.broadcast %slice3A_402 : vector<1x8xf32> to vector<128x8xf32>
    %add3A_404 = arith.addf %dot_general3A_341, %add3A_403 : vector<128x8xf32>
    %slice3A_405 = vector.extract_strided_slice %dot_general3A_365 {offsets = [13, 0], sizes = [1, 8], strides = [1, 1]} : vector<16x8xf32> to vector<1x8xf32>
    %add3A_406 = vector.broadcast %slice3A_405 : vector<1x8xf32> to vector<128x8xf32>
    %add3A_407 = arith.addf %dot_general3A_347, %add3A_406 : vector<128x8xf32>
    %slice3A_408 = vector.extract_strided_slice %dot_general3A_365 {offsets = [14, 0], sizes = [1, 8], strides = [1, 1]} : vector<16x8xf32> to vector<1x8xf32>
    %add3A_409 = vector.broadcast %slice3A_408 : vector<1x8xf32> to vector<128x8xf32>
    %add3A_410 = arith.addf %dot_general3A_353, %add3A_409 : vector<128x8xf32>
    %slice3A_411 = vector.extract_strided_slice %dot_general3A_365 {offsets = [15, 0], sizes = [1, 8], strides = [1, 1]} : vector<16x8xf32> to vector<1x8xf32>
    %add3A_412 = vector.broadcast %slice3A_411 : vector<1x8xf32> to vector<128x8xf32>
    %add3A_413 = arith.addf %dot_general3A_359, %add3A_412 : vector<128x8xf32>
    %concatenate3A_414 = tpu.concatenate %add3A_368, %add3A_371, %add3A_374, %add3A_377, %add3A_380, %add3A_383, %add3A_386, %add3A_389, %add3A_392, %add3A_395, %add3A_398, %add3A_401, %add3A_404, %add3A_407, %add3A_410, %add3A_413 in 0 : vector<128x8xf32>, vector<128x8xf32>, vector<128x8xf32>, vector<128x8xf32>, vector<128x8xf32>, vector<128x8xf32>, vector<128x8xf32>, vector<128x8xf32>, vector<128x8xf32>, vector<128x8xf32>, vector<128x8xf32>, vector<128x8xf32>, vector<128x8xf32>, vector<128x8xf32>, vector<128x8xf32>, vector<128x8xf32> -> vector<2048x8xf32>
    %reduce_sum3A_415 = arith.constant dense<0.000000e+00> : vector<8xf32>
    %reduce_sum3A_416 = vector.multi_reduction <add>, %concatenate3A_363, %reduce_sum3A_415 [0] : vector<16x8xf32> to vector<8xf32>
    %broadcast_in_dim3A_417 = vector.shape_cast %reduce_sum3A_416 : vector<8xf32> to vector<1x8xf32>
    %div3A_418 = arith.constant 1.280000e+02 : f32
    %div3A_419 = vector.broadcast %div3A_418 : f32 to vector<1x8xf32>
    %div3A_420 = arith.divf %broadcast_in_dim3A_417, %div3A_419 : vector<1x8xf32>
    %ceil3A_421 = math.ceil %div3A_420 : vector<1x8xf32>
    %mul3A_422 = arith.constant 1.280000e+02 : f32
    %mul3A_423 = vector.broadcast %mul3A_422 : f32 to vector<1x8xf32>
    %mul3A_424 = arith.mulf %ceil3A_421, %mul3A_423 : vector<1x8xf32>
    %dot_general3A_425 = arith.constant dense<0.000000e+00> : vector<1x8xf32>
    %dot_general3A_426 = tpu.matmul %mul3A_424, %convert_element_type3A_55, %dot_general3A_425 {dimension_numbers = #tpu.dot_dimension_numbers<[1], [0], [0], [1], [0, 0, 1, 1], [], []>, transpose_lhs_hint = false} : vector<1x8xf32>, vector<8x8xf32>, vector<1x8xf32> -> vector<1x8xf32>
    %add3A_427 = vector.broadcast %dot_general3A_426 : vector<1x8xf32> to vector<2048x8xf32>
    %add3A_428 = arith.addf %concatenate3A_414, %add3A_427 : vector<2048x8xf32>
    %mul3A_429 = arith.mulf %convert_element_type3A_266, %add3A_428 : vector<2048x8xf32>
    %reduce_sum3A_430 = arith.constant dense<0.000000e+00> : vector<2048xf32>
    %reduce_sum3A_431 = vector.multi_reduction <add>, %mul3A_429, %reduce_sum3A_430 [1] : vector<2048x8xf32> to vector<2048xf32>
    %broadcast_in_dim3A_432 = vector.shape_cast %reduce_sum3A_431 : vector<2048xf32> to vector<2048x1xf32>
    %convert_element_type3A_433 = arith.fptosi %broadcast_in_dim3A_432 : vector<2048x1xf32> to vector<2048x1xi32>
    %swap3A_434 = arith.constant 0 : index
    %swap3A_435 = arith.constant 0 : index
    %swap3A_436 = vector.load %arg7[%swap3A_434, %swap3A_435] : memref<2048x1xi32, #tpu.memory_space<vmem>>, vector<2048x1xi32>
    tpu.vector_store %arg7[%swap3A_434, %swap3A_435], %convert_element_type3A_433 {strides = array<i32>} : memref<2048x1xi32, #tpu.memory_space<vmem>>, vector<2048x1xi32>,
    %reduce_sum3A_437 = arith.constant dense<0.000000e+00> : vector<1xf32>
    %reduce_sum3A_438 = vector.multi_reduction <add>, %mul3A_424, %reduce_sum3A_437 [1] : vector<1x8xf32> to vector<1xf32>
    %broadcast_in_dim3A_439 = vector.shape_cast %reduce_sum3A_438 : vector<1xf32> to vector<1x1xf32>
    %iota3A_440 = tpu.iota {dimensions = array<i32: 0>} : vector<24x8xi32>
    %mul3A_441 = arith.constant 128 : i32
    %mul3A_442 = vector.broadcast %mul3A_441 : i32 to vector<24x8xi32>
    %mul3A_443 = arith.muli %iota3A_440, %mul3A_442 : vector<24x8xi32>
    %convert_element_type3A_444 = arith.sitofp %mul3A_443 : vector<24x8xi32> to vector<24x8xf32>
    %le3A_445 = vector.broadcast %dot_general3A_426 : vector<1x8xf32> to vector<24x8xf32>
    %le3A_446 = arith.cmpf ole, %le3A_445, %convert_element_type3A_444 : vector<24x8xf32>
    %convert_element_type3A_447 = arith.extui %le3A_446 : vector<24x8xi1> to vector<24x8xi32>
    %convert_element_type3A_448 = arith.sitofp %convert_element_type3A_447 : vector<24x8xi32> to vector<24x8xf32>
    %reduce_sum3A_449 = arith.constant dense<0.000000e+00> : vector<24xf32>
    %reduce_sum3A_450 = vector.multi_reduction <add>, %convert_element_type3A_448, %reduce_sum3A_449 [1] : vector<24x8xf32> to vector<24xf32>
    %broadcast_in_dim3A_451 = vector.shape_cast %reduce_sum3A_450 : vector<24xf32> to vector<24x1xf32>
    %sub3A_452 = arith.constant 1.000000e+00 : f32
    %sub3A_453 = vector.broadcast %sub3A_452 : f32 to vector<24x1xf32>
    %sub3A_454 = arith.subf %broadcast_in_dim3A_451, %sub3A_453 : vector<24x1xf32>
    %jit3A_455 = arith.constant 0.000000e+00 : f32
    %jit3A_456 = arith.constant 7 : i32
    %max3A_457 = vector.broadcast %jit3A_455 : f32 to vector<24x1xf32>
    %max3A_458 = arith.maximumf %max3A_457, %sub3A_454 : vector<24x1xf32>
    %convert_element_type3A_459 = arith.sitofp %jit3A_456 : i32 to f32
    %min3A_460 = vector.broadcast %convert_element_type3A_459 : f32 to vector<24x1xf32>
    %min3A_461 = arith.minimumf %min3A_460, %max3A_458 : vector<24x1xf32>
    %convert_element_type3A_462 = arith.fptosi %min3A_461 : vector<24x1xf32> to vector<24x1xi32>
    %swap3A_463 = arith.constant 0 : index
    %swap3A_464 = arith.constant 0 : index
    %swap3A_465 = vector.load %arg10[%swap3A_463, %swap3A_464] : memref<24x1xi32, #tpu.memory_space<vmem>>, vector<24x1xi32>
    tpu.vector_store %arg10[%swap3A_463, %swap3A_464], %convert_element_type3A_462 {strides = array<i32>} : memref<24x1xi32, #tpu.memory_space<vmem>>, vector<24x1xi32>,
    %iota3A_466 = tpu.iota {dimensions = array<i32: 0>} : vector<24x1xi32>
    %mul3A_467 = arith.constant 128 : i32
    %mul3A_468 = vector.broadcast %mul3A_467 : i32 to vector<24x1xi32>
    %mul3A_469 = arith.muli %iota3A_466, %mul3A_468 : vector<24x1xi32>
    %convert_element_type3A_470 = arith.sitofp %mul3A_469 : vector<24x1xi32> to vector<24x1xf32>
    %lt3A_471 = vector.broadcast %broadcast_in_dim3A_439 : vector<1x1xf32> to vector<24x1xf32>
    %lt3A_472 = arith.cmpf olt, %convert_element_type3A_470, %lt3A_471 : vector<24x1xf32>
    %convert_element_type3A_473 = arith.extui %lt3A_472 : vector<24x1xi1> to vector<24x1xi32>
    %swap3A_474 = arith.constant 0 : index
    %swap3A_475 = arith.constant 0 : index
    %swap3A_476 = vector.load %arg11[%swap3A_474, %swap3A_475] : memref<24x1xi32, #tpu.memory_space<vmem>>, vector<24x1xi32>
    tpu.vector_store %arg11[%swap3A_474, %swap3A_475], %convert_element_type3A_473 {strides = array<i32>} : memref<24x1xi32, #tpu.memory_space<vmem>>, vector<24x1xi32>,
    return
  }
  func.func @transform_0(%arg0: i32) -> (i32, i32) {
    %c0_i32 = arith.constant 0 : i32
    %c0_i32_0 = arith.constant 0 : i32
    %c0_i32_1 = arith.constant 0 : i32
    return %c0_i32, %c0_i32_0 : i32, i32
  }
  func.func @transform_1(%arg0: i32) -> (i32, i32) {
    %c0_i32 = arith.constant 0 : i32
    %c0_i32_0 = arith.constant 0 : i32
    %c0_i32_1 = arith.constant 0 : i32
    return %c0_i32, %c0_i32_0 : i32, i32
  }
  func.func @transform_2(%arg0: i32) -> i32 {
    %c0_i32 = arith.constant 0 : i32
    %c0_i32_0 = arith.constant 0 : i32
    return %c0_i32 : i32
  }
  func.func @transform_3(%arg0: i32) -> (i32, i32) {
    %c0_i32 = arith.constant 0 : i32
    %c0_i32_0 = arith.constant 0 : i32
    %c0_i32_1 = arith.constant 0 : i32
    return %c0_i32, %c0_i32_0 : i32, i32
  }
  func.func @transform_4(%arg0: i32) -> (i32, i32) {
    %c0_i32 = arith.constant 0 : i32
    %c0_i32_0 = arith.constant 0 : i32
    %c0_i32_1 = arith.constant 0 : i32
    return %c0_i32, %c0_i32_0 : i32, i32
  }
  func.func @transform_5(%arg0: i32) -> (i32, i32) {
    %c0_i32 = arith.constant 0 : i32
    %c0_i32_0 = arith.constant 0 : i32
    %c0_i32_1 = arith.constant 0 : i32
    return %c0_i32, %c0_i32_0 : i32, i32
  }
  func.func @transform_6(%arg0: i32) -> (i32, i32) {
    %c0_i32 = arith.constant 0 : i32
    %c0_i32_0 = arith.constant 0 : i32
    %c0_i32_1 = arith.constant 0 : i32
    return %c0_i32, %c0_i32_0 : i32, i32
  }
  func.func @transform_7(%arg0: i32) -> (i32, i32) {
    %c0_i32 = arith.constant 0 : i32
    %c0_i32_0 = arith.constant 0 : i32
    %c0_i32_1 = arith.constant 0 : i32
    return %c0_i32, %c0_i32_0 : i32, i32
  }
  func.func @transform_8(%arg0: i32) -> (i32, i32) {
    %c0_i32 = arith.constant 0 : i32
    %c0_i32_0 = arith.constant 0 : i32
    %c0_i32_1 = arith.constant 0 : i32
    return %c0_i32, %c0_i32_0 : i32, i32
  }
  func.func @transform_9(%arg0: i32) -> (i32, i32) {
    %c0_i32 = arith.constant 0 : i32
    %c0_i32_0 = arith.constant 0 : i32
    %c0_i32_1 = arith.constant 0 : i32
    return %c0_i32, %c0_i32_0 : i32, i32
  }
  func.func @transform_10(%arg0: i32) -> (i32, i32) {
    %c0_i32 = arith.constant 0 : i32
    %c0_i32_0 = arith.constant 0 : i32
    %c0_i32_1 = arith.constant 0 : i32
    return %c0_i32, %c0_i32_0 : i32, i32
  }
}

module attributes {stable_mosaic.version = 14 : i64} {
  func.func @_combine_kernel(%arg0: i32, %arg1: memref<512x768xf32, #tpu.memory_space<vmem>>, %arg2: memref<512x768xf32, #tpu.memory_space<vmem>>, %arg3: memref<512x768xf32, #tpu.memory_space<vmem>>, %arg4: memref<512x1xf32, #tpu.memory_space<vmem>>, %arg5: memref<512x1xf32, #tpu.memory_space<vmem>>, %arg6: memref<768xf32, #tpu.memory_space<vmem>>, %arg7: memref<768xf32, #tpu.memory_space<vmem>>, %arg8: memref<512x768xf32, #tpu.memory_space<vmem>>) attributes {dimension_semantics = [#tpu.dimension_semantics<arbitrary>], iteration_bounds = array<i64: 4>, scalar_prefetch = 0 : i64, scratch_operands = 0 : i64, tpu.core_type = #tpu.core_type<tc>, window_params = [{transform_indices = @transform_0, window_bounds = array<i64: 512, 768>}, {transform_indices = @transform_1, window_bounds = array<i64: 512, 768>}, {transform_indices = @transform_2, window_bounds = array<i64: 512, 768>}, {transform_indices = @transform_3, window_bounds = array<i64: 512, 1>}, {transform_indices = @transform_4, window_bounds = array<i64: 512, 1>}, {pipeline_mode = #tpu.pipeline_mode<synchronous>, transform_indices = @transform_5, window_bounds = array<i64: 768>}, {pipeline_mode = #tpu.pipeline_mode<synchronous>, transform_indices = @transform_6, window_bounds = array<i64: 768>}, {transform_indices = @transform_7, window_bounds = array<i64: 512, 768>}]} {
    %get3A = arith.constant 0 : index
    %get3A_0 = arith.constant 0 : index
    %get3A_1 = vector.load %arg1[%get3A, %get3A_0] : memref<512x768xf32, #tpu.memory_space<vmem>>, vector<512x768xf32>
    %get3A_2 = arith.constant 0 : index
    %get3A_3 = arith.constant 0 : index
    %get3A_4 = vector.load %arg2[%get3A_2, %get3A_3] : memref<512x768xf32, #tpu.memory_space<vmem>>, vector<512x768xf32>
    %get3A_5 = arith.constant 0 : index
    %get3A_6 = arith.constant 0 : index
    %get3A_7 = vector.load %arg3[%get3A_5, %get3A_6] : memref<512x768xf32, #tpu.memory_space<vmem>>, vector<512x768xf32>
    %get3A_8 = arith.constant 0 : index
    %get3A_9 = arith.constant 0 : index
    %get3A_10 = vector.load %arg4[%get3A_8, %get3A_9] : memref<512x1xf32, #tpu.memory_space<vmem>>, vector<512x1xf32>
    %mul3A = arith.constant 2.000000e+00 : f32
    %mul3A_11 = vector.broadcast %mul3A : f32 to vector<512x1xf32>
    %mul3A_12 = arith.mulf %mul3A_11, %get3A_10 : vector<512x1xf32>
    %sub3A = arith.subf %get3A_4, %get3A_1 : vector<512x768xf32>
    %mul3A_13 = vector.broadcast %mul3A_12 : vector<512x1xf32> to vector<512x768xf32>
    %mul3A_14 = arith.mulf %mul3A_13, %sub3A : vector<512x768xf32>
    %add3A = arith.addf %get3A_1, %mul3A_14 : vector<512x768xf32>
    %get3A_15 = arith.constant 0 : index
    %get3A_16 = arith.constant 0 : index
    %get3A_17 = vector.load %arg5[%get3A_15, %get3A_16] : memref<512x1xf32, #tpu.memory_space<vmem>>, vector<512x1xf32>
    %mul3A_18 = arith.constant 2.000000e+00 : f32
    %mul3A_19 = vector.broadcast %mul3A_18 : f32 to vector<512x1xf32>
    %mul3A_20 = arith.mulf %mul3A_19, %get3A_17 : vector<512x1xf32>
    %sub3A_21 = arith.subf %get3A_7, %get3A_4 : vector<512x768xf32>
    %mul3A_22 = vector.broadcast %mul3A_20 : vector<512x1xf32> to vector<512x768xf32>
    %mul3A_23 = arith.mulf %mul3A_22, %sub3A_21 : vector<512x768xf32>
    %add3A_24 = arith.addf %add3A, %mul3A_23 : vector<512x768xf32>
    %reduce_sum3A = arith.constant dense<0.000000e+00> : vector<512xf32>
    %reduce_sum3A_25 = vector.multi_reduction <add>, %add3A_24, %reduce_sum3A [1] : vector<512x768xf32> to vector<512xf32>
    %broadcast_in_dim3A = vector.shape_cast %reduce_sum3A_25 : vector<512xf32> to vector<512x1xf32>
    %div3A = arith.constant 7.680000e+02 : f32
    %div3A_26 = vector.broadcast %div3A : f32 to vector<512x1xf32>
    %div3A_27 = arith.divf %broadcast_in_dim3A, %div3A_26 : vector<512x1xf32>
    %sub3A_28 = vector.broadcast %div3A_27 : vector<512x1xf32> to vector<512x768xf32>
    %sub3A_29 = arith.subf %add3A_24, %sub3A_28 : vector<512x768xf32>
    %mul3A_30 = arith.mulf %sub3A_29, %sub3A_29 : vector<512x768xf32>
    %reduce_sum3A_31 = arith.constant dense<0.000000e+00> : vector<512xf32>
    %reduce_sum3A_32 = vector.multi_reduction <add>, %mul3A_30, %reduce_sum3A_31 [1] : vector<512x768xf32> to vector<512xf32>
    %broadcast_in_dim3A_33 = vector.shape_cast %reduce_sum3A_32 : vector<512xf32> to vector<512x1xf32>
    %div3A_34 = arith.constant 7.680000e+02 : f32
    %div3A_35 = vector.broadcast %div3A_34 : f32 to vector<512x1xf32>
    %div3A_36 = arith.divf %broadcast_in_dim3A_33, %div3A_35 : vector<512x1xf32>
    %add3A_37 = arith.constant 9.99999974E-6 : f32
    %add3A_38 = vector.broadcast %add3A_37 : f32 to vector<512x1xf32>
    %add3A_39 = arith.addf %div3A_36, %add3A_38 : vector<512x1xf32>
    %rsqrt3A = math.rsqrt %add3A_39 : vector<512x1xf32>
    %mul3A_40 = vector.broadcast %rsqrt3A : vector<512x1xf32> to vector<512x768xf32>
    %mul3A_41 = arith.mulf %sub3A_29, %mul3A_40 : vector<512x768xf32>
    %get3A_42 = arith.constant 0 : index
    %get3A_43 = vector.load %arg6[%get3A_42] : memref<768xf32, #tpu.memory_space<vmem>>, vector<768xf32>
    %broadcast_in_dim3A_44 = vector.shape_cast %get3A_43 : vector<768xf32> to vector<1x768xf32>
    %mul3A_45 = vector.broadcast %broadcast_in_dim3A_44 : vector<1x768xf32> to vector<512x768xf32>
    %mul3A_46 = arith.mulf %mul3A_41, %mul3A_45 : vector<512x768xf32>
    %get3A_47 = arith.constant 0 : index
    %get3A_48 = vector.load %arg7[%get3A_47] : memref<768xf32, #tpu.memory_space<vmem>>, vector<768xf32>
    %broadcast_in_dim3A_49 = vector.shape_cast %get3A_48 : vector<768xf32> to vector<1x768xf32>
    %add3A_50 = vector.broadcast %broadcast_in_dim3A_49 : vector<1x768xf32> to vector<512x768xf32>
    %add3A_51 = arith.addf %mul3A_46, %add3A_50 : vector<512x768xf32>
    %swap3A = arith.constant 0 : index
    %swap3A_52 = arith.constant 0 : index
    %swap3A_53 = vector.load %arg8[%swap3A, %swap3A_52] : memref<512x768xf32, #tpu.memory_space<vmem>>, vector<512x768xf32>
    tpu.vector_store %arg8[%swap3A, %swap3A_52], %add3A_51 {strides = array<i32>} : memref<512x768xf32, #tpu.memory_space<vmem>>, vector<512x768xf32>,
    return
  }
  func.func @transform_0(%arg0: i32) -> (i32, i32) {
    %c0_i32 = arith.constant 0 : i32
    %c0_i32_0 = arith.constant 0 : i32
    return %arg0, %c0_i32 : i32, i32
  }
  func.func @transform_1(%arg0: i32) -> (i32, i32) {
    %c0_i32 = arith.constant 0 : i32
    %c0_i32_0 = arith.constant 0 : i32
    return %arg0, %c0_i32 : i32, i32
  }
  func.func @transform_2(%arg0: i32) -> (i32, i32) {
    %c0_i32 = arith.constant 0 : i32
    %c0_i32_0 = arith.constant 0 : i32
    return %arg0, %c0_i32 : i32, i32
  }
  func.func @transform_3(%arg0: i32) -> (i32, i32) {
    %c0_i32 = arith.constant 0 : i32
    %c0_i32_0 = arith.constant 0 : i32
    return %arg0, %c0_i32 : i32, i32
  }
  func.func @transform_4(%arg0: i32) -> (i32, i32) {
    %c0_i32 = arith.constant 0 : i32
    %c0_i32_0 = arith.constant 0 : i32
    return %arg0, %c0_i32 : i32, i32
  }
  func.func @transform_5(%arg0: i32) -> i32 {
    %c0_i32 = arith.constant 0 : i32
    %c0_i32_0 = arith.constant 0 : i32
    return %c0_i32 : i32
  }
  func.func @transform_6(%arg0: i32) -> i32 {
    %c0_i32 = arith.constant 0 : i32
    %c0_i32_0 = arith.constant 0 : i32
    return %c0_i32 : i32
  }
  func.func @transform_7(%arg0: i32) -> (i32, i32) {
    %c0_i32 = arith.constant 0 : i32
    %c0_i32_0 = arith.constant 0 : i32
    return %arg0, %c0_i32 : i32, i32
  }
}

module attributes {stable_mosaic.version = 14 : i64} {
  func.func @_grouped_mlp_kernel(%arg0: i32, %arg1: memref<24xi32, #tpu.memory_space<smem>>, %arg2: memref<24xi32, #tpu.memory_space<smem>>, %arg3: memref<128x768xf32, #tpu.memory_space<vmem>>, %arg4: memref<8x768x512xf32, #tpu.memory_space<vmem>>, %arg5: memref<8x1x512xf32, #tpu.memory_space<vmem>>, %arg6: memref<8x512x768xf32, #tpu.memory_space<vmem>>, %arg7: memref<8x1x768xf32, #tpu.memory_space<vmem>>, %arg8: memref<128x768xf32, #tpu.memory_space<vmem>>) attributes {dimension_semantics = [#tpu.dimension_semantics<arbitrary>], iteration_bounds = array<i64: 24>, scalar_prefetch = 0 : i64, scratch_operands = 0 : i64, tpu.core_type = #tpu.core_type<tc>, window_params = [{transform_indices = @transform_0, window_bounds = array<i64: 24>}, {transform_indices = @transform_1, window_bounds = array<i64: 24>}, {transform_indices = @transform_2, window_bounds = array<i64: 128, 768>}, {pipeline_mode = #tpu.pipeline_mode<synchronous>, transform_indices = @transform_3, window_bounds = array<i64: 8, 768, 512>}, {pipeline_mode = #tpu.pipeline_mode<synchronous>, transform_indices = @transform_4, window_bounds = array<i64: 8, 1, 512>}, {pipeline_mode = #tpu.pipeline_mode<synchronous>, transform_indices = @transform_5, window_bounds = array<i64: 8, 512, 768>}, {pipeline_mode = #tpu.pipeline_mode<synchronous>, transform_indices = @transform_6, window_bounds = array<i64: 8, 1, 768>}, {transform_indices = @transform_7, window_bounds = array<i64: 128, 768>}]} {
    %get3A = arith.index_cast %arg0 : i32 to index
    %get3A_0 = memref.load %arg2[%get3A] : memref<24xi32, #tpu.memory_space<smem>>
    %ne3A = arith.constant 0 : i32
    %ne3A_1 = arith.cmpi ne, %get3A_0, %ne3A : i32
    %convert_element_type3A = arith.extui %ne3A_1 : i1 to i32
    %cond3A = arith.constant 0 : i32
    %cond3A_2 = arith.cmpi ne, %convert_element_type3A, %cond3A : i32
    scf.if %cond3A_2 {
      %get3A_3 = arith.index_cast %arg0 : i32 to index
      %get3A_4 = memref.load %arg1[%get3A_3] : memref<24xi32, #tpu.memory_space<smem>>
      %get3A_5 = arith.constant 0 : index
      %get3A_6 = arith.constant 0 : index
      %get3A_7 = vector.load %arg3[%get3A_5, %get3A_6] : memref<128x768xf32, #tpu.memory_space<vmem>>, vector<128x768xf32>
      %clamp3A = arith.constant 0 : i32
      %clamp3A_8 = arith.constant 7 : i32
      %clamp3A_9 = arith.maxsi %get3A_4, %clamp3A : i32
      %clamp3A_10 = arith.minsi %clamp3A_9, %clamp3A_8 : i32
      %cond3A_11 = arith.constant 0 : i32
      %cond3A_12 = arith.cmpi ne, %clamp3A_10, %cond3A_11 : i32
      scf.if %cond3A_12 {
        %cond3A_13 = arith.constant 1 : i32
        %cond3A_14 = arith.subi %clamp3A_10, %cond3A_13 : i32
        %cond3A_15 = arith.constant 0 : i32
        %cond3A_16 = arith.cmpi ne, %cond3A_14, %cond3A_15 : i32
        scf.if %cond3A_16 {
          %cond3A_17 = arith.constant 1 : i32
          %cond3A_18 = arith.subi %cond3A_14, %cond3A_17 : i32
          %cond3A_19 = arith.constant 0 : i32
          %cond3A_20 = arith.cmpi ne, %cond3A_18, %cond3A_19 : i32
          scf.if %cond3A_20 {
            %cond3A_21 = arith.constant 1 : i32
            %cond3A_22 = arith.subi %cond3A_18, %cond3A_21 : i32
            %cond3A_23 = arith.constant 0 : i32
            %cond3A_24 = arith.cmpi ne, %cond3A_22, %cond3A_23 : i32
            scf.if %cond3A_24 {
              %cond3A_25 = arith.constant 1 : i32
              %cond3A_26 = arith.subi %cond3A_22, %cond3A_25 : i32
              %cond3A_27 = arith.constant 0 : i32
              %cond3A_28 = arith.cmpi ne, %cond3A_26, %cond3A_27 : i32
              scf.if %cond3A_28 {
                %cond3A_29 = arith.constant 1 : i32
                %cond3A_30 = arith.subi %cond3A_26, %cond3A_29 : i32
                %cond3A_31 = arith.constant 0 : i32
                %cond3A_32 = arith.cmpi ne, %cond3A_30, %cond3A_31 : i32
                scf.if %cond3A_32 {
                  %cond3A_33 = arith.constant 1 : i32
                  %cond3A_34 = arith.subi %cond3A_30, %cond3A_33 : i32
                  %cond3A_35 = arith.constant 0 : i32
                  %cond3A_36 = arith.cmpi ne, %cond3A_34, %cond3A_35 : i32
                  scf.if %cond3A_36 {
                    %get3A_37 = arith.constant 7 : index
                    %get3A_38 = arith.constant 0 : index
                    %get3A_39 = arith.constant 0 : index
                    %get3A_40 = vector.load %arg4[%get3A_37, %get3A_38, %get3A_39] : memref<8x768x512xf32, #tpu.memory_space<vmem>>, vector<1x768x512xf32>
                    %get3A_41 = vector.shape_cast %get3A_40 : vector<1x768x512xf32> to vector<768x512xf32>
                    %dot_general3A = arith.constant dense<0.000000e+00> : vector<128x512xf32>
                    %dot_general3A_42 = tpu.matmul %get3A_7, %get3A_41, %dot_general3A {dimension_numbers = #tpu.dot_dimension_numbers<[1], [0], [0], [1], [0, 0, 1, 1], [], []>, transpose_lhs_hint = false} : vector<128x768xf32>, vector<768x512xf32>, vector<128x512xf32> -> vector<128x512xf32>
                    %get3A_43 = arith.constant 7 : index
                    %get3A_44 = arith.constant 0 : index
                    %get3A_45 = arith.constant 0 : index
                    %get3A_46 = vector.load %arg5[%get3A_43, %get3A_44, %get3A_45] : memref<8x1x512xf32, #tpu.memory_space<vmem>>, vector<1x1x512xf32>
                    %get3A_47 = vector.shape_cast %get3A_46 : vector<1x1x512xf32> to vector<1x512xf32>
                    %add3A = vector.broadcast %get3A_47 : vector<1x512xf32> to vector<128x512xf32>
                    %add3A_48 = arith.addf %dot_general3A_42, %add3A : vector<128x512xf32>
                    %max3A = arith.constant 0.000000e+00 : f32
                    %max3A_49 = vector.broadcast %max3A : f32 to vector<128x512xf32>
                    %max3A_50 = arith.maximumf %add3A_48, %max3A_49 : vector<128x512xf32>
                    %get3A_51 = arith.constant 7 : index
                    %get3A_52 = arith.constant 0 : index
                    %get3A_53 = arith.constant 0 : index
                    %get3A_54 = vector.load %arg6[%get3A_51, %get3A_52, %get3A_53] : memref<8x512x768xf32, #tpu.memory_space<vmem>>, vector<1x512x768xf32>
                    %get3A_55 = vector.shape_cast %get3A_54 : vector<1x512x768xf32> to vector<512x768xf32>
                    %dot_general3A_56 = arith.constant dense<0.000000e+00> : vector<128x768xf32>
                    %dot_general3A_57 = tpu.matmul %max3A_50, %get3A_55, %dot_general3A_56 {dimension_numbers = #tpu.dot_dimension_numbers<[1], [0], [0], [1], [0, 0, 1, 1], [], []>, transpose_lhs_hint = false} : vector<128x512xf32>, vector<512x768xf32>, vector<128x768xf32> -> vector<128x768xf32>
                    %get3A_58 = arith.constant 7 : index
                    %get3A_59 = arith.constant 0 : index
                    %get3A_60 = arith.constant 0 : index
                    %get3A_61 = vector.load %arg7[%get3A_58, %get3A_59, %get3A_60] : memref<8x1x768xf32, #tpu.memory_space<vmem>>, vector<1x1x768xf32>
                    %get3A_62 = vector.shape_cast %get3A_61 : vector<1x1x768xf32> to vector<1x768xf32>
                    %add3A_63 = vector.broadcast %get3A_62 : vector<1x768xf32> to vector<128x768xf32>
                    %add3A_64 = arith.addf %dot_general3A_57, %add3A_63 : vector<128x768xf32>
                    %mul3A = arith.constant 5.000000e-01 : f32
                    %mul3A_65 = vector.broadcast %mul3A : f32 to vector<128x768xf32>
                    %mul3A_66 = arith.mulf %mul3A_65, %add3A_64 : vector<128x768xf32>
                    %add3A_67 = arith.addf %get3A_7, %mul3A_66 : vector<128x768xf32>
                    %swap3A = arith.constant 0 : index
                    %swap3A_68 = arith.constant 0 : index
                    %swap3A_69 = vector.load %arg8[%swap3A, %swap3A_68] : memref<128x768xf32, #tpu.memory_space<vmem>>, vector<128x768xf32>
                    tpu.vector_store %arg8[%swap3A, %swap3A_68], %add3A_67 {strides = array<i32>} : memref<128x768xf32, #tpu.memory_space<vmem>>, vector<128x768xf32>,
                  } else {
                    %get3A_37 = arith.constant 6 : index
                    %get3A_38 = arith.constant 0 : index
                    %get3A_39 = arith.constant 0 : index
                    %get3A_40 = vector.load %arg4[%get3A_37, %get3A_38, %get3A_39] : memref<8x768x512xf32, #tpu.memory_space<vmem>>, vector<1x768x512xf32>
                    %get3A_41 = vector.shape_cast %get3A_40 : vector<1x768x512xf32> to vector<768x512xf32>
                    %dot_general3A = arith.constant dense<0.000000e+00> : vector<128x512xf32>
                    %dot_general3A_42 = tpu.matmul %get3A_7, %get3A_41, %dot_general3A {dimension_numbers = #tpu.dot_dimension_numbers<[1], [0], [0], [1], [0, 0, 1, 1], [], []>, transpose_lhs_hint = false} : vector<128x768xf32>, vector<768x512xf32>, vector<128x512xf32> -> vector<128x512xf32>
                    %get3A_43 = arith.constant 6 : index
                    %get3A_44 = arith.constant 0 : index
                    %get3A_45 = arith.constant 0 : index
                    %get3A_46 = vector.load %arg5[%get3A_43, %get3A_44, %get3A_45] : memref<8x1x512xf32, #tpu.memory_space<vmem>>, vector<1x1x512xf32>
                    %get3A_47 = vector.shape_cast %get3A_46 : vector<1x1x512xf32> to vector<1x512xf32>
                    %add3A = vector.broadcast %get3A_47 : vector<1x512xf32> to vector<128x512xf32>
                    %add3A_48 = arith.addf %dot_general3A_42, %add3A : vector<128x512xf32>
                    %max3A = arith.constant 0.000000e+00 : f32
                    %max3A_49 = vector.broadcast %max3A : f32 to vector<128x512xf32>
                    %max3A_50 = arith.maximumf %add3A_48, %max3A_49 : vector<128x512xf32>
                    %get3A_51 = arith.constant 6 : index
                    %get3A_52 = arith.constant 0 : index
                    %get3A_53 = arith.constant 0 : index
                    %get3A_54 = vector.load %arg6[%get3A_51, %get3A_52, %get3A_53] : memref<8x512x768xf32, #tpu.memory_space<vmem>>, vector<1x512x768xf32>
                    %get3A_55 = vector.shape_cast %get3A_54 : vector<1x512x768xf32> to vector<512x768xf32>
                    %dot_general3A_56 = arith.constant dense<0.000000e+00> : vector<128x768xf32>
                    %dot_general3A_57 = tpu.matmul %max3A_50, %get3A_55, %dot_general3A_56 {dimension_numbers = #tpu.dot_dimension_numbers<[1], [0], [0], [1], [0, 0, 1, 1], [], []>, transpose_lhs_hint = false} : vector<128x512xf32>, vector<512x768xf32>, vector<128x768xf32> -> vector<128x768xf32>
                    %get3A_58 = arith.constant 6 : index
                    %get3A_59 = arith.constant 0 : index
                    %get3A_60 = arith.constant 0 : index
                    %get3A_61 = vector.load %arg7[%get3A_58, %get3A_59, %get3A_60] : memref<8x1x768xf32, #tpu.memory_space<vmem>>, vector<1x1x768xf32>
                    %get3A_62 = vector.shape_cast %get3A_61 : vector<1x1x768xf32> to vector<1x768xf32>
                    %add3A_63 = vector.broadcast %get3A_62 : vector<1x768xf32> to vector<128x768xf32>
                    %add3A_64 = arith.addf %dot_general3A_57, %add3A_63 : vector<128x768xf32>
                    %mul3A = arith.constant 5.000000e-01 : f32
                    %mul3A_65 = vector.broadcast %mul3A : f32 to vector<128x768xf32>
                    %mul3A_66 = arith.mulf %mul3A_65, %add3A_64 : vector<128x768xf32>
                    %add3A_67 = arith.addf %get3A_7, %mul3A_66 : vector<128x768xf32>
                    %swap3A = arith.constant 0 : index
                    %swap3A_68 = arith.constant 0 : index
                    %swap3A_69 = vector.load %arg8[%swap3A, %swap3A_68] : memref<128x768xf32, #tpu.memory_space<vmem>>, vector<128x768xf32>
                    tpu.vector_store %arg8[%swap3A, %swap3A_68], %add3A_67 {strides = array<i32>} : memref<128x768xf32, #tpu.memory_space<vmem>>, vector<128x768xf32>,
                  }
                } else {
                  %get3A_33 = arith.constant 5 : index
                  %get3A_34 = arith.constant 0 : index
                  %get3A_35 = arith.constant 0 : index
                  %get3A_36 = vector.load %arg4[%get3A_33, %get3A_34, %get3A_35] : memref<8x768x512xf32, #tpu.memory_space<vmem>>, vector<1x768x512xf32>
                  %get3A_37 = vector.shape_cast %get3A_36 : vector<1x768x512xf32> to vector<768x512xf32>
                  %dot_general3A = arith.constant dense<0.000000e+00> : vector<128x512xf32>
                  %dot_general3A_38 = tpu.matmul %get3A_7, %get3A_37, %dot_general3A {dimension_numbers = #tpu.dot_dimension_numbers<[1], [0], [0], [1], [0, 0, 1, 1], [], []>, transpose_lhs_hint = false} : vector<128x768xf32>, vector<768x512xf32>, vector<128x512xf32> -> vector<128x512xf32>
                  %get3A_39 = arith.constant 5 : index
                  %get3A_40 = arith.constant 0 : index
                  %get3A_41 = arith.constant 0 : index
                  %get3A_42 = vector.load %arg5[%get3A_39, %get3A_40, %get3A_41] : memref<8x1x512xf32, #tpu.memory_space<vmem>>, vector<1x1x512xf32>
                  %get3A_43 = vector.shape_cast %get3A_42 : vector<1x1x512xf32> to vector<1x512xf32>
                  %add3A = vector.broadcast %get3A_43 : vector<1x512xf32> to vector<128x512xf32>
                  %add3A_44 = arith.addf %dot_general3A_38, %add3A : vector<128x512xf32>
                  %max3A = arith.constant 0.000000e+00 : f32
                  %max3A_45 = vector.broadcast %max3A : f32 to vector<128x512xf32>
                  %max3A_46 = arith.maximumf %add3A_44, %max3A_45 : vector<128x512xf32>
                  %get3A_47 = arith.constant 5 : index
                  %get3A_48 = arith.constant 0 : index
                  %get3A_49 = arith.constant 0 : index
                  %get3A_50 = vector.load %arg6[%get3A_47, %get3A_48, %get3A_49] : memref<8x512x768xf32, #tpu.memory_space<vmem>>, vector<1x512x768xf32>
                  %get3A_51 = vector.shape_cast %get3A_50 : vector<1x512x768xf32> to vector<512x768xf32>
                  %dot_general3A_52 = arith.constant dense<0.000000e+00> : vector<128x768xf32>
                  %dot_general3A_53 = tpu.matmul %max3A_46, %get3A_51, %dot_general3A_52 {dimension_numbers = #tpu.dot_dimension_numbers<[1], [0], [0], [1], [0, 0, 1, 1], [], []>, transpose_lhs_hint = false} : vector<128x512xf32>, vector<512x768xf32>, vector<128x768xf32> -> vector<128x768xf32>
                  %get3A_54 = arith.constant 5 : index
                  %get3A_55 = arith.constant 0 : index
                  %get3A_56 = arith.constant 0 : index
                  %get3A_57 = vector.load %arg7[%get3A_54, %get3A_55, %get3A_56] : memref<8x1x768xf32, #tpu.memory_space<vmem>>, vector<1x1x768xf32>
                  %get3A_58 = vector.shape_cast %get3A_57 : vector<1x1x768xf32> to vector<1x768xf32>
                  %add3A_59 = vector.broadcast %get3A_58 : vector<1x768xf32> to vector<128x768xf32>
                  %add3A_60 = arith.addf %dot_general3A_53, %add3A_59 : vector<128x768xf32>
                  %mul3A = arith.constant 5.000000e-01 : f32
                  %mul3A_61 = vector.broadcast %mul3A : f32 to vector<128x768xf32>
                  %mul3A_62 = arith.mulf %mul3A_61, %add3A_60 : vector<128x768xf32>
                  %add3A_63 = arith.addf %get3A_7, %mul3A_62 : vector<128x768xf32>
                  %swap3A = arith.constant 0 : index
                  %swap3A_64 = arith.constant 0 : index
                  %swap3A_65 = vector.load %arg8[%swap3A, %swap3A_64] : memref<128x768xf32, #tpu.memory_space<vmem>>, vector<128x768xf32>
                  tpu.vector_store %arg8[%swap3A, %swap3A_64], %add3A_63 {strides = array<i32>} : memref<128x768xf32, #tpu.memory_space<vmem>>, vector<128x768xf32>,
                }
              } else {
                %get3A_29 = arith.constant 4 : index
                %get3A_30 = arith.constant 0 : index
                %get3A_31 = arith.constant 0 : index
                %get3A_32 = vector.load %arg4[%get3A_29, %get3A_30, %get3A_31] : memref<8x768x512xf32, #tpu.memory_space<vmem>>, vector<1x768x512xf32>
                %get3A_33 = vector.shape_cast %get3A_32 : vector<1x768x512xf32> to vector<768x512xf32>
                %dot_general3A = arith.constant dense<0.000000e+00> : vector<128x512xf32>
                %dot_general3A_34 = tpu.matmul %get3A_7, %get3A_33, %dot_general3A {dimension_numbers = #tpu.dot_dimension_numbers<[1], [0], [0], [1], [0, 0, 1, 1], [], []>, transpose_lhs_hint = false} : vector<128x768xf32>, vector<768x512xf32>, vector<128x512xf32> -> vector<128x512xf32>
                %get3A_35 = arith.constant 4 : index
                %get3A_36 = arith.constant 0 : index
                %get3A_37 = arith.constant 0 : index
                %get3A_38 = vector.load %arg5[%get3A_35, %get3A_36, %get3A_37] : memref<8x1x512xf32, #tpu.memory_space<vmem>>, vector<1x1x512xf32>
                %get3A_39 = vector.shape_cast %get3A_38 : vector<1x1x512xf32> to vector<1x512xf32>
                %add3A = vector.broadcast %get3A_39 : vector<1x512xf32> to vector<128x512xf32>
                %add3A_40 = arith.addf %dot_general3A_34, %add3A : vector<128x512xf32>
                %max3A = arith.constant 0.000000e+00 : f32
                %max3A_41 = vector.broadcast %max3A : f32 to vector<128x512xf32>
                %max3A_42 = arith.maximumf %add3A_40, %max3A_41 : vector<128x512xf32>
                %get3A_43 = arith.constant 4 : index
                %get3A_44 = arith.constant 0 : index
                %get3A_45 = arith.constant 0 : index
                %get3A_46 = vector.load %arg6[%get3A_43, %get3A_44, %get3A_45] : memref<8x512x768xf32, #tpu.memory_space<vmem>>, vector<1x512x768xf32>
                %get3A_47 = vector.shape_cast %get3A_46 : vector<1x512x768xf32> to vector<512x768xf32>
                %dot_general3A_48 = arith.constant dense<0.000000e+00> : vector<128x768xf32>
                %dot_general3A_49 = tpu.matmul %max3A_42, %get3A_47, %dot_general3A_48 {dimension_numbers = #tpu.dot_dimension_numbers<[1], [0], [0], [1], [0, 0, 1, 1], [], []>, transpose_lhs_hint = false} : vector<128x512xf32>, vector<512x768xf32>, vector<128x768xf32> -> vector<128x768xf32>
                %get3A_50 = arith.constant 4 : index
                %get3A_51 = arith.constant 0 : index
                %get3A_52 = arith.constant 0 : index
                %get3A_53 = vector.load %arg7[%get3A_50, %get3A_51, %get3A_52] : memref<8x1x768xf32, #tpu.memory_space<vmem>>, vector<1x1x768xf32>
                %get3A_54 = vector.shape_cast %get3A_53 : vector<1x1x768xf32> to vector<1x768xf32>
                %add3A_55 = vector.broadcast %get3A_54 : vector<1x768xf32> to vector<128x768xf32>
                %add3A_56 = arith.addf %dot_general3A_49, %add3A_55 : vector<128x768xf32>
                %mul3A = arith.constant 5.000000e-01 : f32
                %mul3A_57 = vector.broadcast %mul3A : f32 to vector<128x768xf32>
                %mul3A_58 = arith.mulf %mul3A_57, %add3A_56 : vector<128x768xf32>
                %add3A_59 = arith.addf %get3A_7, %mul3A_58 : vector<128x768xf32>
                %swap3A = arith.constant 0 : index
                %swap3A_60 = arith.constant 0 : index
                %swap3A_61 = vector.load %arg8[%swap3A, %swap3A_60] : memref<128x768xf32, #tpu.memory_space<vmem>>, vector<128x768xf32>
                tpu.vector_store %arg8[%swap3A, %swap3A_60], %add3A_59 {strides = array<i32>} : memref<128x768xf32, #tpu.memory_space<vmem>>, vector<128x768xf32>,
              }
            } else {
              %get3A_25 = arith.constant 3 : index
              %get3A_26 = arith.constant 0 : index
              %get3A_27 = arith.constant 0 : index
              %get3A_28 = vector.load %arg4[%get3A_25, %get3A_26, %get3A_27] : memref<8x768x512xf32, #tpu.memory_space<vmem>>, vector<1x768x512xf32>
              %get3A_29 = vector.shape_cast %get3A_28 : vector<1x768x512xf32> to vector<768x512xf32>
              %dot_general3A = arith.constant dense<0.000000e+00> : vector<128x512xf32>
              %dot_general3A_30 = tpu.matmul %get3A_7, %get3A_29, %dot_general3A {dimension_numbers = #tpu.dot_dimension_numbers<[1], [0], [0], [1], [0, 0, 1, 1], [], []>, transpose_lhs_hint = false} : vector<128x768xf32>, vector<768x512xf32>, vector<128x512xf32> -> vector<128x512xf32>
              %get3A_31 = arith.constant 3 : index
              %get3A_32 = arith.constant 0 : index
              %get3A_33 = arith.constant 0 : index
              %get3A_34 = vector.load %arg5[%get3A_31, %get3A_32, %get3A_33] : memref<8x1x512xf32, #tpu.memory_space<vmem>>, vector<1x1x512xf32>
              %get3A_35 = vector.shape_cast %get3A_34 : vector<1x1x512xf32> to vector<1x512xf32>
              %add3A = vector.broadcast %get3A_35 : vector<1x512xf32> to vector<128x512xf32>
              %add3A_36 = arith.addf %dot_general3A_30, %add3A : vector<128x512xf32>
              %max3A = arith.constant 0.000000e+00 : f32
              %max3A_37 = vector.broadcast %max3A : f32 to vector<128x512xf32>
              %max3A_38 = arith.maximumf %add3A_36, %max3A_37 : vector<128x512xf32>
              %get3A_39 = arith.constant 3 : index
              %get3A_40 = arith.constant 0 : index
              %get3A_41 = arith.constant 0 : index
              %get3A_42 = vector.load %arg6[%get3A_39, %get3A_40, %get3A_41] : memref<8x512x768xf32, #tpu.memory_space<vmem>>, vector<1x512x768xf32>
              %get3A_43 = vector.shape_cast %get3A_42 : vector<1x512x768xf32> to vector<512x768xf32>
              %dot_general3A_44 = arith.constant dense<0.000000e+00> : vector<128x768xf32>
              %dot_general3A_45 = tpu.matmul %max3A_38, %get3A_43, %dot_general3A_44 {dimension_numbers = #tpu.dot_dimension_numbers<[1], [0], [0], [1], [0, 0, 1, 1], [], []>, transpose_lhs_hint = false} : vector<128x512xf32>, vector<512x768xf32>, vector<128x768xf32> -> vector<128x768xf32>
              %get3A_46 = arith.constant 3 : index
              %get3A_47 = arith.constant 0 : index
              %get3A_48 = arith.constant 0 : index
              %get3A_49 = vector.load %arg7[%get3A_46, %get3A_47, %get3A_48] : memref<8x1x768xf32, #tpu.memory_space<vmem>>, vector<1x1x768xf32>
              %get3A_50 = vector.shape_cast %get3A_49 : vector<1x1x768xf32> to vector<1x768xf32>
              %add3A_51 = vector.broadcast %get3A_50 : vector<1x768xf32> to vector<128x768xf32>
              %add3A_52 = arith.addf %dot_general3A_45, %add3A_51 : vector<128x768xf32>
              %mul3A = arith.constant 5.000000e-01 : f32
              %mul3A_53 = vector.broadcast %mul3A : f32 to vector<128x768xf32>
              %mul3A_54 = arith.mulf %mul3A_53, %add3A_52 : vector<128x768xf32>
              %add3A_55 = arith.addf %get3A_7, %mul3A_54 : vector<128x768xf32>
              %swap3A = arith.constant 0 : index
              %swap3A_56 = arith.constant 0 : index
              %swap3A_57 = vector.load %arg8[%swap3A, %swap3A_56] : memref<128x768xf32, #tpu.memory_space<vmem>>, vector<128x768xf32>
              tpu.vector_store %arg8[%swap3A, %swap3A_56], %add3A_55 {strides = array<i32>} : memref<128x768xf32, #tpu.memory_space<vmem>>, vector<128x768xf32>,
            }
          } else {
            %get3A_21 = arith.constant 2 : index
            %get3A_22 = arith.constant 0 : index
            %get3A_23 = arith.constant 0 : index
            %get3A_24 = vector.load %arg4[%get3A_21, %get3A_22, %get3A_23] : memref<8x768x512xf32, #tpu.memory_space<vmem>>, vector<1x768x512xf32>
            %get3A_25 = vector.shape_cast %get3A_24 : vector<1x768x512xf32> to vector<768x512xf32>
            %dot_general3A = arith.constant dense<0.000000e+00> : vector<128x512xf32>
            %dot_general3A_26 = tpu.matmul %get3A_7, %get3A_25, %dot_general3A {dimension_numbers = #tpu.dot_dimension_numbers<[1], [0], [0], [1], [0, 0, 1, 1], [], []>, transpose_lhs_hint = false} : vector<128x768xf32>, vector<768x512xf32>, vector<128x512xf32> -> vector<128x512xf32>
            %get3A_27 = arith.constant 2 : index
            %get3A_28 = arith.constant 0 : index
            %get3A_29 = arith.constant 0 : index
            %get3A_30 = vector.load %arg5[%get3A_27, %get3A_28, %get3A_29] : memref<8x1x512xf32, #tpu.memory_space<vmem>>, vector<1x1x512xf32>
            %get3A_31 = vector.shape_cast %get3A_30 : vector<1x1x512xf32> to vector<1x512xf32>
            %add3A = vector.broadcast %get3A_31 : vector<1x512xf32> to vector<128x512xf32>
            %add3A_32 = arith.addf %dot_general3A_26, %add3A : vector<128x512xf32>
            %max3A = arith.constant 0.000000e+00 : f32
            %max3A_33 = vector.broadcast %max3A : f32 to vector<128x512xf32>
            %max3A_34 = arith.maximumf %add3A_32, %max3A_33 : vector<128x512xf32>
            %get3A_35 = arith.constant 2 : index
            %get3A_36 = arith.constant 0 : index
            %get3A_37 = arith.constant 0 : index
            %get3A_38 = vector.load %arg6[%get3A_35, %get3A_36, %get3A_37] : memref<8x512x768xf32, #tpu.memory_space<vmem>>, vector<1x512x768xf32>
            %get3A_39 = vector.shape_cast %get3A_38 : vector<1x512x768xf32> to vector<512x768xf32>
            %dot_general3A_40 = arith.constant dense<0.000000e+00> : vector<128x768xf32>
            %dot_general3A_41 = tpu.matmul %max3A_34, %get3A_39, %dot_general3A_40 {dimension_numbers = #tpu.dot_dimension_numbers<[1], [0], [0], [1], [0, 0, 1, 1], [], []>, transpose_lhs_hint = false} : vector<128x512xf32>, vector<512x768xf32>, vector<128x768xf32> -> vector<128x768xf32>
            %get3A_42 = arith.constant 2 : index
            %get3A_43 = arith.constant 0 : index
            %get3A_44 = arith.constant 0 : index
            %get3A_45 = vector.load %arg7[%get3A_42, %get3A_43, %get3A_44] : memref<8x1x768xf32, #tpu.memory_space<vmem>>, vector<1x1x768xf32>
            %get3A_46 = vector.shape_cast %get3A_45 : vector<1x1x768xf32> to vector<1x768xf32>
            %add3A_47 = vector.broadcast %get3A_46 : vector<1x768xf32> to vector<128x768xf32>
            %add3A_48 = arith.addf %dot_general3A_41, %add3A_47 : vector<128x768xf32>
            %mul3A = arith.constant 5.000000e-01 : f32
            %mul3A_49 = vector.broadcast %mul3A : f32 to vector<128x768xf32>
            %mul3A_50 = arith.mulf %mul3A_49, %add3A_48 : vector<128x768xf32>
            %add3A_51 = arith.addf %get3A_7, %mul3A_50 : vector<128x768xf32>
            %swap3A = arith.constant 0 : index
            %swap3A_52 = arith.constant 0 : index
            %swap3A_53 = vector.load %arg8[%swap3A, %swap3A_52] : memref<128x768xf32, #tpu.memory_space<vmem>>, vector<128x768xf32>
            tpu.vector_store %arg8[%swap3A, %swap3A_52], %add3A_51 {strides = array<i32>} : memref<128x768xf32, #tpu.memory_space<vmem>>, vector<128x768xf32>,
          }
        } else {
          %get3A_17 = arith.constant 1 : index
          %get3A_18 = arith.constant 0 : index
          %get3A_19 = arith.constant 0 : index
          %get3A_20 = vector.load %arg4[%get3A_17, %get3A_18, %get3A_19] : memref<8x768x512xf32, #tpu.memory_space<vmem>>, vector<1x768x512xf32>
          %get3A_21 = vector.shape_cast %get3A_20 : vector<1x768x512xf32> to vector<768x512xf32>
          %dot_general3A = arith.constant dense<0.000000e+00> : vector<128x512xf32>
          %dot_general3A_22 = tpu.matmul %get3A_7, %get3A_21, %dot_general3A {dimension_numbers = #tpu.dot_dimension_numbers<[1], [0], [0], [1], [0, 0, 1, 1], [], []>, transpose_lhs_hint = false} : vector<128x768xf32>, vector<768x512xf32>, vector<128x512xf32> -> vector<128x512xf32>
          %get3A_23 = arith.constant 1 : index
          %get3A_24 = arith.constant 0 : index
          %get3A_25 = arith.constant 0 : index
          %get3A_26 = vector.load %arg5[%get3A_23, %get3A_24, %get3A_25] : memref<8x1x512xf32, #tpu.memory_space<vmem>>, vector<1x1x512xf32>
          %get3A_27 = vector.shape_cast %get3A_26 : vector<1x1x512xf32> to vector<1x512xf32>
          %add3A = vector.broadcast %get3A_27 : vector<1x512xf32> to vector<128x512xf32>
          %add3A_28 = arith.addf %dot_general3A_22, %add3A : vector<128x512xf32>
          %max3A = arith.constant 0.000000e+00 : f32
          %max3A_29 = vector.broadcast %max3A : f32 to vector<128x512xf32>
          %max3A_30 = arith.maximumf %add3A_28, %max3A_29 : vector<128x512xf32>
          %get3A_31 = arith.constant 1 : index
          %get3A_32 = arith.constant 0 : index
          %get3A_33 = arith.constant 0 : index
          %get3A_34 = vector.load %arg6[%get3A_31, %get3A_32, %get3A_33] : memref<8x512x768xf32, #tpu.memory_space<vmem>>, vector<1x512x768xf32>
          %get3A_35 = vector.shape_cast %get3A_34 : vector<1x512x768xf32> to vector<512x768xf32>
          %dot_general3A_36 = arith.constant dense<0.000000e+00> : vector<128x768xf32>
          %dot_general3A_37 = tpu.matmul %max3A_30, %get3A_35, %dot_general3A_36 {dimension_numbers = #tpu.dot_dimension_numbers<[1], [0], [0], [1], [0, 0, 1, 1], [], []>, transpose_lhs_hint = false} : vector<128x512xf32>, vector<512x768xf32>, vector<128x768xf32> -> vector<128x768xf32>
          %get3A_38 = arith.constant 1 : index
          %get3A_39 = arith.constant 0 : index
          %get3A_40 = arith.constant 0 : index
          %get3A_41 = vector.load %arg7[%get3A_38, %get3A_39, %get3A_40] : memref<8x1x768xf32, #tpu.memory_space<vmem>>, vector<1x1x768xf32>
          %get3A_42 = vector.shape_cast %get3A_41 : vector<1x1x768xf32> to vector<1x768xf32>
          %add3A_43 = vector.broadcast %get3A_42 : vector<1x768xf32> to vector<128x768xf32>
          %add3A_44 = arith.addf %dot_general3A_37, %add3A_43 : vector<128x768xf32>
          %mul3A = arith.constant 5.000000e-01 : f32
          %mul3A_45 = vector.broadcast %mul3A : f32 to vector<128x768xf32>
          %mul3A_46 = arith.mulf %mul3A_45, %add3A_44 : vector<128x768xf32>
          %add3A_47 = arith.addf %get3A_7, %mul3A_46 : vector<128x768xf32>
          %swap3A = arith.constant 0 : index
          %swap3A_48 = arith.constant 0 : index
          %swap3A_49 = vector.load %arg8[%swap3A, %swap3A_48] : memref<128x768xf32, #tpu.memory_space<vmem>>, vector<128x768xf32>
          tpu.vector_store %arg8[%swap3A, %swap3A_48], %add3A_47 {strides = array<i32>} : memref<128x768xf32, #tpu.memory_space<vmem>>, vector<128x768xf32>,
        }
      } else {
        %get3A_13 = arith.constant 0 : index
        %get3A_14 = arith.constant 0 : index
        %get3A_15 = arith.constant 0 : index
        %get3A_16 = vector.load %arg4[%get3A_13, %get3A_14, %get3A_15] : memref<8x768x512xf32, #tpu.memory_space<vmem>>, vector<1x768x512xf32>
        %get3A_17 = vector.shape_cast %get3A_16 : vector<1x768x512xf32> to vector<768x512xf32>
        %dot_general3A = arith.constant dense<0.000000e+00> : vector<128x512xf32>
        %dot_general3A_18 = tpu.matmul %get3A_7, %get3A_17, %dot_general3A {dimension_numbers = #tpu.dot_dimension_numbers<[1], [0], [0], [1], [0, 0, 1, 1], [], []>, transpose_lhs_hint = false} : vector<128x768xf32>, vector<768x512xf32>, vector<128x512xf32> -> vector<128x512xf32>
        %get3A_19 = arith.constant 0 : index
        %get3A_20 = arith.constant 0 : index
        %get3A_21 = arith.constant 0 : index
        %get3A_22 = vector.load %arg5[%get3A_19, %get3A_20, %get3A_21] : memref<8x1x512xf32, #tpu.memory_space<vmem>>, vector<1x1x512xf32>
        %get3A_23 = vector.shape_cast %get3A_22 : vector<1x1x512xf32> to vector<1x512xf32>
        %add3A = vector.broadcast %get3A_23 : vector<1x512xf32> to vector<128x512xf32>
        %add3A_24 = arith.addf %dot_general3A_18, %add3A : vector<128x512xf32>
        %max3A = arith.constant 0.000000e+00 : f32
        %max3A_25 = vector.broadcast %max3A : f32 to vector<128x512xf32>
        %max3A_26 = arith.maximumf %add3A_24, %max3A_25 : vector<128x512xf32>
        %get3A_27 = arith.constant 0 : index
        %get3A_28 = arith.constant 0 : index
        %get3A_29 = arith.constant 0 : index
        %get3A_30 = vector.load %arg6[%get3A_27, %get3A_28, %get3A_29] : memref<8x512x768xf32, #tpu.memory_space<vmem>>, vector<1x512x768xf32>
        %get3A_31 = vector.shape_cast %get3A_30 : vector<1x512x768xf32> to vector<512x768xf32>
        %dot_general3A_32 = arith.constant dense<0.000000e+00> : vector<128x768xf32>
        %dot_general3A_33 = tpu.matmul %max3A_26, %get3A_31, %dot_general3A_32 {dimension_numbers = #tpu.dot_dimension_numbers<[1], [0], [0], [1], [0, 0, 1, 1], [], []>, transpose_lhs_hint = false} : vector<128x512xf32>, vector<512x768xf32>, vector<128x768xf32> -> vector<128x768xf32>
        %get3A_34 = arith.constant 0 : index
        %get3A_35 = arith.constant 0 : index
        %get3A_36 = arith.constant 0 : index
        %get3A_37 = vector.load %arg7[%get3A_34, %get3A_35, %get3A_36] : memref<8x1x768xf32, #tpu.memory_space<vmem>>, vector<1x1x768xf32>
        %get3A_38 = vector.shape_cast %get3A_37 : vector<1x1x768xf32> to vector<1x768xf32>
        %add3A_39 = vector.broadcast %get3A_38 : vector<1x768xf32> to vector<128x768xf32>
        %add3A_40 = arith.addf %dot_general3A_33, %add3A_39 : vector<128x768xf32>
        %mul3A = arith.constant 5.000000e-01 : f32
        %mul3A_41 = vector.broadcast %mul3A : f32 to vector<128x768xf32>
        %mul3A_42 = arith.mulf %mul3A_41, %add3A_40 : vector<128x768xf32>
        %add3A_43 = arith.addf %get3A_7, %mul3A_42 : vector<128x768xf32>
        %swap3A = arith.constant 0 : index
        %swap3A_44 = arith.constant 0 : index
        %swap3A_45 = vector.load %arg8[%swap3A, %swap3A_44] : memref<128x768xf32, #tpu.memory_space<vmem>>, vector<128x768xf32>
        tpu.vector_store %arg8[%swap3A, %swap3A_44], %add3A_43 {strides = array<i32>} : memref<128x768xf32, #tpu.memory_space<vmem>>, vector<128x768xf32>,
      }
    } else {
    }
    return
  }
  func.func @transform_0(%arg0: i32) -> i32 {
    %c0_i32 = arith.constant 0 : i32
    %c0_i32_0 = arith.constant 0 : i32
    return %c0_i32 : i32
  }
  func.func @transform_1(%arg0: i32) -> i32 {
    %c0_i32 = arith.constant 0 : i32
    %c0_i32_0 = arith.constant 0 : i32
    return %c0_i32 : i32
  }
  func.func @transform_2(%arg0: i32) -> (i32, i32) {
    %c0_i32 = arith.constant 0 : i32
    %c0_i32_0 = arith.constant 0 : i32
    return %arg0, %c0_i32 : i32, i32
  }
  func.func @transform_3(%arg0: i32) -> (i32, i32, i32) {
    %c0_i32 = arith.constant 0 : i32
    %c0_i32_0 = arith.constant 0 : i32
    %c0_i32_1 = arith.constant 0 : i32
    %c0_i32_2 = arith.constant 0 : i32
    return %c0_i32, %c0_i32_0, %c0_i32_1 : i32, i32, i32
  }
  func.func @transform_4(%arg0: i32) -> (i32, i32, i32) {
    %c0_i32 = arith.constant 0 : i32
    %c0_i32_0 = arith.constant 0 : i32
    %c0_i32_1 = arith.constant 0 : i32
    %c0_i32_2 = arith.constant 0 : i32
    return %c0_i32, %c0_i32_0, %c0_i32_1 : i32, i32, i32
  }
  func.func @transform_5(%arg0: i32) -> (i32, i32, i32) {
    %c0_i32 = arith.constant 0 : i32
    %c0_i32_0 = arith.constant 0 : i32
    %c0_i32_1 = arith.constant 0 : i32
    %c0_i32_2 = arith.constant 0 : i32
    return %c0_i32, %c0_i32_0, %c0_i32_1 : i32, i32, i32
  }
  func.func @transform_6(%arg0: i32) -> (i32, i32, i32) {
    %c0_i32 = arith.constant 0 : i32
    %c0_i32_0 = arith.constant 0 : i32
    %c0_i32_1 = arith.constant 0 : i32
    %c0_i32_2 = arith.constant 0 : i32
    return %c0_i32, %c0_i32_0, %c0_i32_1 : i32, i32, i32
  }
  func.func @transform_7(%arg0: i32) -> (i32, i32) {
    %c0_i32 = arith.constant 0 : i32
    %c0_i32_0 = arith.constant 0 : i32
    return %arg0, %c0_i32 : i32, i32
  }
}

</mosaic_0001>

<sc_bundles>
// kernel: kernel.12.cloned.1.call-start
scs
__scs_entry_jumppad:
0x0: {  	(pc) =	sbr.rel $0x88, $3  }
0x1: {  	(tag) =	ssettag $0x0;
	lr =	simm.s32 $0x1  }
0x2: {  	[smem:$0x3F98] =	sst lr;
	_ =	strace $0xD0000000  }
0x3: {  	_ = 	snop  }
0x4: {  	_ = 	snop  }
0x5: {  	_ = 	snop  }
0x6: {  	_ = 	snop  }
0x7: {  	_ = 	snop  }
__scs_overlays_trampoline_lowered:
0x8: {  	[smem:$0x3FA7] =	sst s0  }
0x9: {  	[smem:$0x3FA8] =	sst s1  }
0xa: {  	[smem:$0x3FA9] =	sst s2  }
0xb: {  	[smem:$0x3FAA] =	sst s3  }
0xc: {  	[smem:$0x3FAB] =	sst s4  }
0xd: {  	[smem:$0x3FAC] =	sst s5  }
0xe: {  	[smem:$0x3FAD] =	sst s6  }
0xf: {  	[smem:$0x3FAE] =	sst s7  }
0x10: {  	[smem:$0x3FAF] =	sst s8  }
0x11: {  	[smem:$0x3FB0] =	sst s9;
	s0 =	simm.s32 @!p0 $0x0  }
0x12: {  	s1 =	sld [smem:$0x3F96];
	s0 =	simm.s32 @p0 $0x1  }
0x13: {  	[smem:$0x3FB1] =	sst s0;
	s0 =	simm.s32 @!p1 $0x0  }
0x14: {  	s2 =	sld [smem:$0x3F95];
	s0 =	simm.s32 @p1 $0x1  }
0x15: {  	[smem:$0x3FB2] =	sst s0;
	s0 =	simm.s32 @!p2 $0x0  }
0x16: {  	s3 =	sld [smem:$0x3FDB];
	s0 =	simm.s32 @p2 $0x1  }
0x17: {  	s4 =	simm.s32 $0x1BF5;
	[smem:$0x3FB4] =	sst s0  }
0x18: {  	s0 =	sld [smem:$0x3F97];
	_ =	swait.ge [sflag:s4], $0x0  }
0x19: {  	s7 =	sld [smem:$0x3F98]  }
0x1a: {  	s8 =	sadd.s32 $0xFFFFE003, lr  }
0x1b: {  	s9 =	sadd.s32 $0xFFFFFEF7, lr;
	s5 =	simm.s32 $0xFFFFFFFF;
	p2 =	slt.u32 s8, $0xFFFFF086  }
0x1c: {  	p1 =	slt.u32 s9, $0xF7A;
	s5 =	simm.s32 @!p2 $0x0  }
0x1d: {  	s5 =	simm.s32 @p1 $0x1;
	p0 =	seq.s32 s7, s2  }
0x1e: {  	s7 =	smul.u32 @!p0 $0xF7A, s2;
	p2 =	seq.s32 @!p0 s5, $0x0  }
0x1f: {  	s9 =	smul.u32 $0xF7A, s1;
	s8 =	simm.s32 @!p0 $0x1BF5;
	p2 =	por !p2, p0  }
0x20: {  	[sflag:s8] =	ssyncset.s32 @!p0 $0xFFFFF086;
	s6 =	sadd.s32 @!p0 s3, s7;
	s7 =	simm.s32 @!p0 $0x108  }
0x21: {  	s3 =	sadd.s32 s3, s9;
	s6 =	sadd.s32 @!p0 $0x88, s6;
	s7 =	simm.s32 @p2 $0x1082  }
0x22: {  	[simem:s7], [sflag:s8] =	dma.local @!p0 [hbm:s6], $0xF7A  }
0x23: {  	s9 =	sor.u32 $0xD0000000, s2;
	s6 =	simm.s32 $0x108;
	_ =	swait.ge @!p0 [sflag:s8], $0x0  }
0x24: {  	s3 =	sadd.s32 $0x88, s3;
	s6 =	simm.s32 @!p1 $0x1082;
	[sflag:s4] =	ssyncset.s32 $0xFFFFF086  }
0x25: {  	[simem:s6], [sflag:s4] =	dma.local [hbm:s3], $0xF7A  }
0x26: {  	[smem:$0x3F98] =	sst s1;
	(tag) =	ssettag s2;
	_ =	strace s9  }
0x27: {  	s1 =	sld [smem:$0x3FA8]  }
0x28: {  	s2 =	sld [smem:$0x3FA9]  }
0x29: {  	s4 =	sld [smem:$0x3FAB]  }
0x2a: {  	p0 =	seq.s32 s5, $0x0;
	s5 =	sld [smem:$0x3FAC]  }
0x2b: {  	s6 =	sld [smem:$0x3FAD]  }
0x2c: {  	s7 =	sld [smem:$0x3FAE]  }
0x2d: {  	s3 =	simm.s32 $0x108;
	s8 =	sld [smem:$0x3FAF]  }
0x2e: {  	s3 =	simm.s32 @!p0 $0x1082;
	s9 =	sld [smem:$0x3FB0]  }
0x2f: {  	lr =	sadd.s32 s0, s3;
	s0 =	sld [smem:$0x3FA7]  }
0x30: {  	s3 =	sld [smem:$0x3FAA]  }
0x31: {  	[smem:$0x3FB3] =	sst s10  }
0x32: {  	s10 =	sld [smem:$0x3FB1];
	_ =	sdelay $0x3  }
0x33: {  	p0 =	seq.s32 s10, $0x1;
	s10 =	sld [smem:$0x3FB3];
	_ =	sdelay $0x3  }
0x34: {  	[smem:$0x3FB3] =	sst s10  }
0x35: {  	s10 =	sld [smem:$0x3FB2];
	_ =	sdelay $0x3  }
0x36: {  	p1 =	seq.s32 s10, $0x1;
	s10 =	sld [smem:$0x3FB3];
	_ =	sdelay $0x3  }
0x37: {  	[smem:$0x3FB3] =	sst s10  }
0x38: {  	s10 =	sld [smem:$0x3FB4]  }
0x39: {  	_ = 	snop;
	(pc) =	sbr.ind lr, $3  }
0x3a: {  	_ = 	snop  }
0x3b: {  	_ = 	snop  }
0x3c: {  	p2 =	seq.s32 s10, $0x1;
	s10 =	sld [smem:$0x3FB3]  }
0x3d: {  	_ =	shalt  }
0x3e: {  	_ =	shalt  }
0x3f: {  	_ =	shalt  }
0x40: {  	_ =	shalt  }
0x41: {  	_ =	shalt  }
0x42: {  	_ =	shalt  }
0x43: {  	_ =	shalt  }
0x44: {  	_ =	shalt  }
0x45: {  	_ =	shalt  }
0x46: {  	_ =	shalt  }
0x47: {  	_ =	shalt  }
0x48: {  	_ =	shalt  }
0x49: {  	_ =	shalt  }
0x4a: {  	_ =	shalt  }
0x4b: {  	_ =	shalt  }
0x4c: {  	_ =	shalt  }
0x4d: {  	_ =	shalt  }
0x4e: {  	_ =	shalt  }
0x4f: {  	_ =	shalt  }
0x50: {  	_ =	shalt  }
0x51: {  	_ =	shalt  }
0x52: {  	_ =	shalt  }
0x53: {  	_ =	shalt  }
0x54: {  	_ =	shalt  }
0x55: {  	_ =	shalt  }
0x56: {  	_ =	shalt  }
0x57: {  	_ =	shalt  }
0x58: {  	_ =	shalt  }
0x59: {  	_ =	shalt  }
0x5a: {  	_ =	shalt  }
0x5b: {  	_ =	shalt  }
0x5c: {  	_ =	shalt  }
0x5d: {  	_ =	shalt  }
0x5e: {  	_ =	shalt  }
0x5f: {  	_ =	shalt  }
0x60: {  	_ =	shalt  }
0x61: {  	_ =	shalt  }
0x62: {  	_ =	shalt  }
0x63: {  	_ =	shalt  }
0x64: {  	_ =	shalt  }
0x65: {  	_ =	shalt  }
0x66: {  	_ =	shalt  }
0x67: {  	_ =	shalt  }
0x68: {  	_ =	shalt  }
0x69: {  	_ =	shalt  }
0x6a: {  	_ =	shalt  }
0x6b: {  	_ =	shalt  }
0x6c: {  	_ =	shalt  }
0x6d: {  	_ =	shalt  }
0x6e: {  	_ =	shalt  }
0x6f: {  	_ =	shalt  }
0x70: {  	_ =	shalt  }
0x71: {  	_ =	shalt  }
0x72: {  	_ =	shalt  }
0x73: {  	_ =	shalt  }
0x74: {  	_ =	shalt  }
0x75: {  	_ =	shalt  }
0x76: {  	_ =	shalt  }
0x77: {  	_ =	shalt  }
0x78: {  	_ =	shalt  }
0x79: {  	_ =	shalt  }
0x7a: {  	_ =	shalt  }
0x7b: {  	_ =	shalt  }
0x7c: {  	_ =	shalt  }
0x7d: {  	_ =	shalt  }
0x7e: {  	_ =	shalt  }
0x7f: {  	_ =	shalt  }
0x80: {  	_ =	shalt  }
0x81: {  	_ =	shalt  }
0x82: {  	_ =	shalt  }
0x83: {  	_ =	shalt  }
0x84: {  	_ =	shalt  }
0x85: {  	_ =	shalt  }
0x86: {  	_ =	shalt  }
0x87: {  	_ =	shalt  }
.Lfunc_end0:
.L_simem_size_0:
called_computation.1_lowered:
.L_overlay_start_0:
0x88: {  	s2 =	sld [smem:$0x3FD9]  }
0x89: {  	s3 =	sld [smem:$0x3FFE];
	_ =	sdelay $0x1  }
0x8a: {  	s1 =	srdreg.scid  }
0x8b: {  	s0 =	sand.u32 $0x1, s1  }
0x8c: {  	s17 =	sshll.u32 s0, $0xA;
	s2 =	sadd.s32 s3, s2  }
0x8d: {  	s2 =	sadd.s32 s2, s17  }
0x8e: {  	[smem:$0x3FBF] =	sst s2  }
0x8f: {  	_ = 	snop  }
0x90: {  	s2 =	sld [smem:$0x3FD0];
	(tm) =	ssettm $0x1  }
0x91: {  	s18 =	sld [smem:$0x3FFB];
	_ =	sdelay $0x3  }
0x92: {  	_ =	strace s18  }
0x93: {  	s3 =	sld [smem:$0x3FFC];
	_ =	sdelay $0x3  }
0x94: {  	_ =	strace s3  }
0x95: {  	s3 =	sld [smem:$0x3FFD];
	_ =	sdelay $0x3  }
0x96: {  	_ =	strace s3  }
0x97: {  	_ =	strace $0x8FFFFFFF  }
0x98: {  	s19 =	sld [smem:$0x3FDB];
	_ =	sdelay $0x1  }
0x99: {  	s4 =	simm.s32 $_scs_section_size  }
0x9a: {  	s5 =	simm.s32 $_size__tile_overlayer_lowered;
	s6 =	simm.s32 $_tile_overlayer_lowered  }
0x9b: {  	s22 =	simm.s32 $0x1BFF;
	s21 =	sshll.u32 s6, $0x1;
	s3 =	sadd.s32 s4, s19  }
0x9c: {  	s7 =	simm.s32 $0x0;
	s20 =	sshll.u32 s5, $0x1;
	s5 =	sadd.s32 s21, s3  }
0x9d: {  	[timem:s7], [sflag:s22] =	dma.local [hbm:s5], s20  }
0x9e: {  	_ =	swait.ge [sflag:s22], s20  }
0x9f: {  	s4 =	ssub.s32 $0x0, s20;
	[sflag:s22] =	ssyncset.done $0x0  }
0xa0: {  	[sflag:s22] =	ssyncadd.s32 s4;
	_ =	sdelay $0x1  }
0xa1: {  	s23 =	simm.s32 $0x1B8B  }
0xa2: {  	_ =	swait.ge [sflag:s23], $0x1  }
0xa3: {  	[sflag:s23] =	ssyncset.done $0x0  }
0xa4: {  	s25 =	simm.s32 $0x1B8E;
	s24 =	sld [smem:$0x3FFE];
	[sflag:s23] =	ssyncadd.s32 $0xFFFFFFFF  }
0xa5: {  	s26 =	simm.s32 $execute0_lowered;
	[smem:$0x3FD2] =	sst s25  }
0xa6: {  	s5 =	sshll.u32 s26, $0x1;
	_ =	strace $0x80000049;
	[dreg:$0x1] =	wrdreg $0xFFFFFFFF  }
0xa7: {  	s28 =	simm.s32 $_size_execute0_lowered;
	s3 =	sadd.s32 s3, s5;
	[dreg:$0x0] =	wrdreg $0x0  }
0xa8: {  	s5 =	sshll.u32 s28, $0x1;
	[dreg:$0x2] =	wrdreg s3  }
0xa9: {  	[dreg:$0x3] =	wrdreg s5  }
0xaa: {  	[dreg:$0x4] =	wrdreg $0xC0  }
0xab: {  	_ =	task [dreg:s7], $0x5FFFF  }
0xac: {  	[dreg:$0x1] =	wrdreg $0xFFFFFFFF  }
0xad: {  	[dreg:$0x0] =	wrdreg $0x60  }
0xae: {  	[dreg:$0x2] =	wrdreg s24  }
0xaf: {  	[dreg:$0x3] =	wrdreg s2  }
0xb0: {  	[dreg:$0x4] =	wrdreg $0x9  }
0xb1: {  	_ =	task.clear_ibuf [dreg:s7], $0x5FFFF;
	_ =	strace $0x90000049  }
0xb2: {  	s29 =	simm.s32 $0x9;
	_ =	strace $0x8000004B  }
0xb3: {  	_ =	swait.ge [sflag:s29], $0x1  }
0xb4: {  	[sflag:s29] =	ssyncadd.s32 $0xFFFFFFFF  }
0xb5: {  	_ =	strace $0x9000004B  }
0xb6: {  	_ =	sfence  }
0xb7: {  	s30 =	sld [smem:$0x0];
	_ =	sdelay $0x2  }
0xb8: {  	s31 =	sshll.u32 s1, $0xD;
	s1 =	sshrl.u32 s1, $0x2  }
0xb9: {  	s3 =	sand.u32 $0x4000, s31;
	s1 =	sadd.s32 s1, s30  }
0xba: {  	s0 =	sor.u32 s3, s0;
	s1 =	sshll.u32 s1, $0x11  }
0xbb: {  	s0 =	sor.u32 s1, s0  }
0xbc: {  	s0 =	sadd.s32 $0x8F2B, s0  }
0xbd: {  	[sflag:s0] =	ssyncadd.remote.s32 $0x1  }
0xbe: {  	_ =	sfence.sel $0xFFFF  }
0xbf: {  	[dreg:$0x0] =	wrdreg $0xFFFFFFFF;
	(pc) =	sbr.abs _section_cstart, $3  }
0xc0: {  	[dreg:$0x1] =	wrdreg $0xFFFFFFFF  }
0xc1: {  	_ =	task.clear_ibuf [dreg:s7], $0x2FFFF;
	_ =	strace $0x9FFFFFFF  }
0xc2: {  	(tm) =	ssettm $0x7FFFFFFF  }
0xc3: {  	_ =	shalt  }
tec
execute0_lowered:
.L_overlay_start_1:
0x0: {  	(tag) =	ssettag $0x1  }
0x1: {  	s0 =	srdreg.scid  }
0x2: {  	s1 =	rddreg [dreg:$0x0];
	s2 =	stileid.u32  }
0x3: {  	s5 =	rddreg [dreg:$0x1];
	s26 =	simm.s32 $0x80;
	s10 =	simm.s32 $0x2  }
0x4: {  	s14 =	simm.s32 $0x1;
	s17 =	simm.s32 $0x1100;
	s18 =	simm.s32 $0x1900  }
0x5: {  	s19 =	simm.s32 $0x2100;
	s20 =	simm.s32 $0x2900;
	s21 =	simm.s32 $0x3100  }
0x6: {  	s22 =	simm.s32 $0x3900;
	s23 =	simm.s32 $0x4100;
	s28 =	simm.s32 $0x6100  }
0x7: {  	s29 =	simm.s32 $0x6900;
	s30 =	simm.s32 $0x7100;
	s31 =	simm.s32 $0x7900  }
0x8: {  	s12 =	simm.s32 $0x9100;
	s13 =	simm.s32 $0x9900;
	s0 =	sand.u32 $0x1, s0  }
0x9: {  	s3 =	sshll.u32 s2, $0x4;
	s2 =	simm.s32 $0x0;
	s4 =	sshll.u32 s0, $0x3  }
0xa: {  	[smem:$0x7FF] =	sst s2;
	s0 =	ssub.s32 $0x2, s0;
	s6 =	sor.u32 s4, s3  }
0xb: {  	_ =	strace $0x8000004A;
	s3 =	sadd.s32 $0x1000, s1;
	s9 =	sshrl.u32 s0, $0x1  }
0xc: {  	[dreg:$0x6] =	wrdreg s26;
	s26 =	simm.s32 $0x5900;
	s4 =	smul.u32 $0x300, s6  }
0xd: {  	s7 =	sadd.s32 s6, s1;
	s5 =	sadd.s32 s5, s6;
	s0 =	ssub.s32 s0, s9  }
0xe: {  	s6 =	sadd.s32 $0x1200, s1;
	[dreg:$0x3] =	wrdreg s5;
	s24 =	sadd.s32 $0x49000, s7  }
0xf: {  	s5 =	sadd.s32 $0x1100, s1;
	s7 =	sadd.s32 $0x49300, s1;
	s9 =	smax.u32 s0, $0x1  }
0x10: {  	v2 =	vlaneseq.u32;
	s8 =	sadd.s32 s4, s1;
	s4 =	sadd.s32 $0x49200, s1;
	[dreg:$0x4] =	wrdreg s24  }
0x11: {  	vm0 =	vmmov $0xffff;
	v1 =	vshrl.u32 v2, $0x3;
	s24 =	simm.s32 $0x4900;
	s25 =	sadd.s32 $0x91200, s8;
	s8 =	sadd.s32 $0x49400, s1  }
0x12: {  	v0 =	vand.u32 $0x7, v2;
	v2 =	vor.u32 $0x8, v2;
	v1 =	vmul.u32 $0x8, v1;
	s1 =	simm.s32 $0x8100;
	[dreg:$0x5] =	wrdreg s25;
	s25 =	simm.s32 $0x5100  }
.LBB2_1:
0x13: {  	s15 =	rddreg [dreg:$0x3]  }
0x14: {  	[tilespmem:s2], [sflag:$0x2] =	stream.linear.gather [hbm4b:s15+s2], $0x40, $0x38;
	[tilespmem:$0xC100] =	vst v63  }
0x15: {  	_ =	swait.ge [sflag:s10], $0x40  }
0x16: {  	s11 =	rddreg [dreg:$0x4];
	[sflag:s10] =	ssyncset.done $0x0  }
0x17: {  	s16 =	rddreg [dreg:$0x6];
	[sflag:s10] =	ssyncadd.s32 $0xFFFFFFC0  }
0x18: {  	[tilespmem:s16], [sflag:$0x2] =	stream.linear.gather [hbm4b:s11+s2], $0x40, $0x38;
	[tilespmem:$0xC100] =	vst v63  }
0x19: {  	_ =	swait.ge [sflag:s10], $0x40  }
0x1a: {  	[sflag:s10] =	ssyncset.done $0x0  }
0x1b: {  	[sflag:s10] =	ssyncadd.s32 $0xFFFFFFC0  }
0x1c: {  	v3 =	vld [tilespmem:$0x0];
	_ =	sdelay $0x4  }
0x1d: {  	v4 =	vshrl.u32 v3, $0x3  }
0x1e: {  	v4 =	vmul.u32 $0x30, v4  }
0x1f: {  	v3 =	vand.u32 $0x7, v3  }
0x20: {  	v3 =	vor.u32 v3, v4  }
0x21: {  	v4 =	vperm.xlane v3, v0;
	_ =	sdelay $0x1  }
0x22: {  	v4 =	vadd.s32 v1, v4;
	_ =	sdelay $0x3  }
0x23: {  	s0 =	simm.s32 $0x100;
	v3 =	vperm.xlane v3, v2  }
0x24: {  	[tilespmem:s0], [sflag:$0x1] =	stream.indirect_vreg.gather [hbm4b:s3+s2], $0x80, v4, vm0, $0xb8;
	[tilespmem:$0xC100] =	vst v63  }
0x25: {  	s16 =	simm.s32 $0x900;
	v3 =	vadd.s32 v1, v3  }
0x26: {  	[tilespmem:s16], [sflag:$0x1] =	stream.indirect_vreg.gather [hbm4b:s5+s2], $0x80, v4, vm0, $0xb8;
	[tilespmem:$0xC100] =	vst v63  }
0x27: {  	_ = 	snop  }
0x28: {  	[tilespmem:s17], [sflag:$0x1] =	stream.indirect_vreg.gather [hbm4b:s6+s2], $0x80, v4, vm0, $0xb8;
	[tilespmem:$0xC100] =	vst v63  }
0x29: {  	_ = 	snop  }
0x2a: {  	[tilespmem:s18], [sflag:$0x1] =	stream.indirect_vreg.gather [hbm4b:s3+s2], $0x80, v3, vm0, $0xb8;
	[tilespmem:$0xC100] =	vst v63  }
0x2b: {  	_ = 	snop  }
0x2c: {  	[tilespmem:s19], [sflag:$0x1] =	stream.indirect_vreg.gather [hbm4b:s5+s2], $0x80, v3, vm0, $0xb8;
	[tilespmem:$0xC100] =	vst v63  }
0x2d: {  	_ = 	snop  }
0x2e: {  	[tilespmem:s20], [sflag:$0x1] =	stream.indirect_vreg.gather [hbm4b:s6+s2], $0x80, v3, vm0, $0xb8;
	[tilespmem:$0xC100] =	vst v63  }
0x2f: {  	v3 =	vld [tilespmem:$0x10];
	_ =	sdelay $0x4  }
0x30: {  	v57 =	vshrl.u32 v3, $0x3  }
0x31: {  	v4 =	vmul.u32 $0x30, v57  }
0x32: {  	v3 =	vand.u32 $0x7, v3  }
0x33: {  	v3 =	vor.u32 v3, v4  }
0x34: {  	v4 =	vperm.xlane v3, v0;
	_ =	sdelay $0x1  }
0x35: {  	v4 =	vadd.s32 v1, v4;
	_ =	sdelay $0x3  }
0x36: {  	v3 =	vperm.xlane v3, v2  }
0x37: {  	[tilespmem:s21], [sflag:$0x1] =	stream.indirect_vreg.gather [hbm4b:s3+s2], $0x80, v4, vm0, $0xb8;
	[tilespmem:$0xC100] =	vst v63  }
0x38: {  	v3 =	vadd.s32 v1, v3  }
0x39: {  	[tilespmem:s22], [sflag:$0x1] =	stream.indirect_vreg.gather [hbm4b:s5+s2], $0x80, v4, vm0, $0xb8;
	[tilespmem:$0xC100] =	vst v63  }
0x3a: {  	_ = 	snop  }
0x3b: {  	[tilespmem:s23], [sflag:$0x1] =	stream.indirect_vreg.gather [hbm4b:s6+s2], $0x80, v4, vm0, $0xb8;
	[tilespmem:$0xC100] =	vst v63  }
0x3c: {  	_ = 	snop  }
0x3d: {  	[tilespmem:s24], [sflag:$0x1] =	stream.indirect_vreg.gather [hbm4b:s3+s2], $0x80, v3, vm0, $0xb8;
	[tilespmem:$0xC100] =	vst v63  }
0x3e: {  	_ = 	snop  }
0x3f: {  	[tilespmem:s25], [sflag:$0x1] =	stream.indirect_vreg.gather [hbm4b:s5+s2], $0x80, v3, vm0, $0xb8;
	[tilespmem:$0xC100] =	vst v63  }
0x40: {  	_ = 	snop  }
0x41: {  	[tilespmem:s26], [sflag:$0x1] =	stream.indirect_vreg.gather [hbm4b:s6+s2], $0x80, v3, vm0, $0xb8;
	[tilespmem:$0xC100] =	vst v63  }
0x42: {  	v3 =	vld [tilespmem:$0x20];
	_ =	sdelay $0x4  }
0x43: {  	v58 =	vshrl.u32 v3, $0x3  }
0x44: {  	v4 =	vmul.u32 $0x30, v58  }
0x45: {  	v3 =	vand.u32 $0x7, v3  }
0x46: {  	v3 =	vor.u32 v3, v4  }
0x47: {  	v4 =	vperm.xlane v3, v0;
	_ =	sdelay $0x1  }
0x48: {  	v4 =	vadd.s32 v1, v4;
	_ =	sdelay $0x3  }
0x49: {  	v3 =	vperm.xlane v3, v2  }
0x4a: {  	[tilespmem:s28], [sflag:$0x1] =	stream.indirect_vreg.gather [hbm4b:s3+s2], $0x80, v4, vm0, $0xb8;
	[tilespmem:$0xC100] =	vst v63  }
0x4b: {  	v3 =	vadd.s32 v1, v3  }
0x4c: {  	[tilespmem:s29], [sflag:$0x1] =	stream.indirect_vreg.gather [hbm4b:s5+s2], $0x80, v4, vm0, $0xb8;
	[tilespmem:$0xC100] =	vst v63  }
0x4d: {  	_ = 	snop  }
0x4e: {  	[tilespmem:s30], [sflag:$0x1] =	stream.indirect_vreg.gather [hbm4b:s6+s2], $0x80, v4, vm0, $0xb8;
	[tilespmem:$0xC100] =	vst v63  }
0x4f: {  	_ = 	snop  }
0x50: {  	[tilespmem:s31], [sflag:$0x1] =	stream.indirect_vreg.gather [hbm4b:s3+s2], $0x80, v3, vm0, $0xb8;
	[tilespmem:$0xC100] =	vst v63  }
0x51: {  	_ = 	snop  }
0x52: {  	[tilespmem:s1], [sflag:$0x1] =	stream.indirect_vreg.gather [hbm4b:s5+s2], $0x80, v3, vm0, $0xb8;
	[tilespmem:$0xC100] =	vst v63  }
0x53: {  	s11 =	simm.s32 $0x8900  }
0x54: {  	[tilespmem:s11], [sflag:$0x1] =	stream.indirect_vreg.gather [hbm4b:s6+s2], $0x80, v3, vm0, $0xb8;
	[tilespmem:$0xC100] =	vst v63  }
0x55: {  	v3 =	vld [tilespmem:$0x30];
	_ =	sdelay $0x4  }
0x56: {  	v59 =	vshrl.u32 v3, $0x3  }
0x57: {  	v4 =	vmul.u32 $0x30, v59  }
0x58: {  	v3 =	vand.u32 $0x7, v3  }
0x59: {  	v3 =	vor.u32 v3, v4  }
0x5a: {  	v4 =	vperm.xlane v3, v0;
	_ =	sdelay $0x1  }
0x5b: {  	v4 =	vadd.s32 v1, v4;
	_ =	sdelay $0x3  }
0x5c: {  	v3 =	vperm.xlane v3, v2  }
0x5d: {  	[tilespmem:s12], [sflag:$0x1] =	stream.indirect_vreg.gather [hbm4b:s3+s2], $0x80, v4, vm0, $0xb8;
	[tilespmem:$0xC100] =	vst v63  }
0x5e: {  	v3 =	vadd.s32 v1, v3  }
0x5f: {  	[tilespmem:s13], [sflag:$0x1] =	stream.indirect_vreg.gather [hbm4b:s5+s2], $0x80, v4, vm0, $0xb8;
	[tilespmem:$0xC100] =	vst v63  }
0x60: {  	s11 =	simm.s32 $0xA100  }
0x61: {  	[tilespmem:s11], [sflag:$0x1] =	stream.indirect_vreg.gather [hbm4b:s6+s2], $0x80, v4, vm0, $0xb8;
	[tilespmem:$0xC100] =	vst v63  }
0x62: {  	s15 =	simm.s32 $0xA900  }
0x63: {  	[tilespmem:s15], [sflag:$0x1] =	stream.indirect_vreg.gather [hbm4b:s3+s2], $0x80, v3, vm0, $0xb8;
	[tilespmem:$0xC100] =	vst v63  }
0x64: {  	s15 =	simm.s32 $0xB100  }
0x65: {  	[tilespmem:s15], [sflag:$0x1] =	stream.indirect_vreg.gather [hbm4b:s5+s2], $0x80, v3, vm0, $0xb8;
	[tilespmem:$0xC100] =	vst v63  }
0x66: {  	s15 =	simm.s32 $0xB900  }
0x67: {  	[tilespmem:s15], [sflag:$0x1] =	stream.indirect_vreg.gather [hbm4b:s6+s2], $0x80, v3, vm0, $0xb8;
	[tilespmem:$0xC100] =	vst v63  }
0x68: {  	_ =	swait.ge [sflag:s14], $0xC000  }
0x69: {  	[sflag:s14] =	ssyncset.done $0x0  }
0x6a: {  	s15 =	rddreg [dreg:$0x5];
	[sflag:s14] =	ssyncadd.s32 $0xFFFF4000  }
0x6b: {  	[hbm4b:s15+s2] =	stream.linear.scatter [tilespmem:s0], [sflag:$0x2], $0xC000, $0x38;
	[tilespmem:$0xC100] =	vst v63  }
0x6c: {  	_ =	swait.ge [sflag:s10], $0xC000  }
0x6d: {  	[sflag:s10] =	ssyncset.done $0x0  }
0x6e: {  	[sflag:s10] =	ssyncadd.s32 $0xFFFF4000  }
0x6f: {  	v3 =	vld [tilespmem:$0x80];
	_ =	sdelay $0x4  }
0x70: {  	v60 =	vshrl.u32 v3, $0x3  }
0x71: {  	v4 =	vmul.u32 $0x30, v60  }
0x72: {  	v3 =	vand.u32 $0x7, v3  }
0x73: {  	v3 =	vor.u32 v3, v4  }
0x74: {  	v4 =	vperm.xlane v3, v0;
	_ =	sdelay $0x1  }
0x75: {  	v4 =	vadd.s32 v1, v4;
	_ =	sdelay $0x3  }
0x76: {  	v3 =	vperm.xlane v3, v2  }
0x77: {  	[hbm4b:s4+s2] =	stream.indirect_vreg.scatter [tilespmem:s0], [sflag:$0x1], $0x80, v4, vm0, $0xb8;
	[tilespmem:$0xC100] =	vst v63  }
0x78: {  	v3 =	vadd.s32 v1, v3  }
0x79: {  	[hbm4b:s7+s2] =	stream.indirect_vreg.scatter [tilespmem:s16], [sflag:$0x1], $0x80, v4, vm0, $0xb8;
	[tilespmem:$0xC100] =	vst v63  }
0x7a: {  	_ = 	snop  }
0x7b: {  	[hbm4b:s8+s2] =	stream.indirect_vreg.scatter [tilespmem:s17], [sflag:$0x1], $0x80, v4, vm0, $0xb8;
	[tilespmem:$0xC100] =	vst v63  }
0x7c: {  	_ = 	snop  }
0x7d: {  	[hbm4b:s4+s2] =	stream.indirect_vreg.scatter [tilespmem:s18], [sflag:$0x1], $0x80, v3, vm0, $0xb8;
	[tilespmem:$0xC100] =	vst v63  }
0x7e: {  	_ = 	snop  }
0x7f: {  	[hbm4b:s7+s2] =	stream.indirect_vreg.scatter [tilespmem:s19], [sflag:$0x1], $0x80, v3, vm0, $0xb8;
	[tilespmem:$0xC100] =	vst v63  }
0x80: {  	_ = 	snop  }
0x81: {  	[hbm4b:s8+s2] =	stream.indirect_vreg.scatter [tilespmem:s20], [sflag:$0x1], $0x80, v3, vm0, $0xb8;
	[tilespmem:$0xC100] =	vst v63  }
0x82: {  	v3 =	vld [tilespmem:$0x90];
	_ =	sdelay $0x4  }
0x83: {  	v61 =	vshrl.u32 v3, $0x3  }
0x84: {  	v4 =	vmul.u32 $0x30, v61  }
0x85: {  	v3 =	vand.u32 $0x7, v3  }
0x86: {  	v3 =	vor.u32 v3, v4  }
0x87: {  	v4 =	vperm.xlane v3, v0;
	_ =	sdelay $0x1  }
0x88: {  	v4 =	vadd.s32 v1, v4;
	_ =	sdelay $0x3  }
0x89: {  	v3 =	vperm.xlane v3, v2  }
0x8a: {  	[hbm4b:s4+s2] =	stream.indirect_vreg.scatter [tilespmem:s21], [sflag:$0x1], $0x80, v4, vm0, $0xb8;
	[tilespmem:$0xC100] =	vst v63  }
0x8b: {  	v3 =	vadd.s32 v1, v3  }
0x8c: {  	[hbm4b:s7+s2] =	stream.indirect_vreg.scatter [tilespmem:s22], [sflag:$0x1], $0x80, v4, vm0, $0xb8;
	[tilespmem:$0xC100] =	vst v63  }
0x8d: {  	_ = 	snop  }
0x8e: {  	[hbm4b:s8+s2] =	stream.indirect_vreg.scatter [tilespmem:s23], [sflag:$0x1], $0x80, v4, vm0, $0xb8;
	[tilespmem:$0xC100] =	vst v63  }
0x8f: {  	_ = 	snop  }
0x90: {  	[hbm4b:s4+s2] =	stream.indirect_vreg.scatter [tilespmem:s24], [sflag:$0x1], $0x80, v3, vm0, $0xb8;
	[tilespmem:$0xC100] =	vst v63  }
0x91: {  	_ = 	snop  }
0x92: {  	[hbm4b:s7+s2] =	stream.indirect_vreg.scatter [tilespmem:s25], [sflag:$0x1], $0x80, v3, vm0, $0xb8;
	[tilespmem:$0xC100] =	vst v63  }
0x93: {  	_ = 	snop  }
0x94: {  	[hbm4b:s8+s2] =	stream.indirect_vreg.scatter [tilespmem:s26], [sflag:$0x1], $0x80, v3, vm0, $0xb8;
	[tilespmem:$0xC100] =	vst v63  }
0x95: {  	v3 =	vld [tilespmem:$0xA0];
	_ =	sdelay $0x4  }
0x96: {  	v62 =	vshrl.u32 v3, $0x3  }
0x97: {  	v4 =	vmul.u32 $0x30, v62  }
0x98: {  	v3 =	vand.u32 $0x7, v3  }
0x99: {  	v3 =	vor.u32 v3, v4  }
0x9a: {  	v4 =	vperm.xlane v3, v0;
	_ =	sdelay $0x1  }
0x9b: {  	v4 =	vadd.s32 v1, v4;
	_ =	sdelay $0x3  }
0x9c: {  	v3 =	vperm.xlane v3, v2  }
0x9d: {  	[hbm4b:s4+s2] =	stream.indirect_vreg.scatter [tilespmem:s28], [sflag:$0x1], $0x80, v4, vm0, $0xb8;
	[tilespmem:$0xC100] =	vst v63  }
0x9e: {  	v3 =	vadd.s32 v1, v3  }
0x9f: {  	[hbm4b:s7+s2] =	stream.indirect_vreg.scatter [tilespmem:s29], [sflag:$0x1], $0x80, v4, vm0, $0xb8;
	[tilespmem:$0xC100] =	vst v63  }
0xa0: {  	_ = 	snop  }
0xa1: {  	[hbm4b:s8+s2] =	stream.indirect_vreg.scatter [tilespmem:s30], [sflag:$0x1], $0x80, v4, vm0, $0xb8;
	[tilespmem:$0xC100] =	vst v63  }
0xa2: {  	_ = 	snop  }
0xa3: {  	[hbm4b:s4+s2] =	stream.indirect_vreg.scatter [tilespmem:s31], [sflag:$0x1], $0x80, v3, vm0, $0xb8;
	[tilespmem:$0xC100] =	vst v63  }
0xa4: {  	_ = 	snop  }
0xa5: {  	[hbm4b:s7+s2] =	stream.indirect_vreg.scatter [tilespmem:s1], [sflag:$0x1], $0x80, v3, vm0, $0xb8;
	[tilespmem:$0xC100] =	vst v63  }
0xa6: {  	s16 =	simm.s32 $0x8900  }
0xa7: {  	[hbm4b:s8+s2] =	stream.indirect_vreg.scatter [tilespmem:s16], [sflag:$0x1], $0x80, v3, vm0, $0xb8;
	[tilespmem:$0xC100] =	vst v63  }
0xa8: {  	v3 =	vld [tilespmem:$0xB0];
	_ =	sdelay $0x4  }
0xa9: {  	v63 =	vshrl.u32 v3, $0x3  }
0xaa: {  	v4 =	vmul.u32 $0x30, v63  }
0xab: {  	v3 =	vand.u32 $0x7, v3  }
0xac: {  	v3 =	vor.u32 v3, v4  }
0xad: {  	v4 =	vperm.xlane v3, v0;
	_ =	sdelay $0x1  }
0xae: {  	v4 =	vadd.s32 v1, v4;
	_ =	sdelay $0x3  }
0xaf: {  	v3 =	vperm.xlane v3, v2  }
0xb0: {  	[hbm4b:s4+s2] =	stream.indirect_vreg.scatter [tilespmem:s12], [sflag:$0x1], $0x80, v4, vm0, $0xb8;
	[tilespmem:$0xC100] =	vst v63  }
0xb1: {  	v3 =	vadd.s32 v1, v3  }
0xb2: {  	[hbm4b:s7+s2] =	stream.indirect_vreg.scatter [tilespmem:s13], [sflag:$0x1], $0x80, v4, vm0, $0xb8;
	[tilespmem:$0xC100] =	vst v63  }
0xb3: {  	_ = 	snop  }
0xb4: {  	[hbm4b:s8+s2] =	stream.indirect_vreg.scatter [tilespmem:s11], [sflag:$0x1], $0x80, v4, vm0, $0xb8;
	[tilespmem:$0xC100] =	vst v63  }
0xb5: {  	s11 =	simm.s32 $0xA900  }
0xb6: {  	[hbm4b:s4+s2] =	stream.indirect_vreg.scatter [tilespmem:s11], [sflag:$0x1], $0x80, v3, vm0, $0xb8;
	[tilespmem:$0xC100] =	vst v63  }
0xb7: {  	p0 =	sne.s32 s9, $0x1;
	s15 =	simm.s32 $0xB100  }
0xb8: {  	[hbm4b:s7+s2] =	stream.indirect_vreg.scatter [tilespmem:s15], [sflag:$0x1], $0x80, v3, vm0, $0xb8;
	[tilespmem:$0xC100] =	vst v63  }
.Ltmp0:
0xb9: {  	s16 =	simm.s32 $0xB900;
	(pc) =	sbr.rel @p0 .LBB2_1-.Ltmp0, $4  }
0xba: {  	[hbm4b:s8+s2] =	stream.indirect_vreg.scatter [tilespmem:s16], [sflag:$0x1], $0x80, v3, vm0, $0xb8;
	[tilespmem:$0xC100] =	vst v63  }
0xbb: {  	_ =	swait.ge [sflag:s14], $0xC000  }
0xbc: {  	[sflag:s14] =	ssyncset.done $0x0  }
0xbd: {  	s9 =	sadd.s32 $0xFFFFFFFF, s9;
	[sflag:s14] =	ssyncadd.s32 $0xFFFF4000  }
0xbe: {  	_ =	sfence.sel $0x180000  }
0xbf: {  	[bflag:$0x0] =	sbarrier.arrive $0xFFFF  }
0xc0: {  	_ =	strace $0x9000004A  }
0xc1: {  	s0 =	stileid.u32;
	[bflag:$0x2] =	sbarrier.arrive $0xFFFF  }
0xc2: {  	p0 =	sne.s32 s0, $0x0;
	s0 =	rddreg [dreg:$0x2]  }
0xc3: {  	s0 =	sadd.s32 @!p0 $0x100000, s0  }
0xc4: {  	[sflag:s0] =	ssyncadd.tile.s32 @!p0 $0x1;
	_ =	shalt  }
.Lfunc_end2:
_tile_overlayer_lowered:
.L_overlay_start_2:
0xc5: {  	(tag) =	ssettag $0x2  }
0xc6: {  	s0 =	rddreg [dreg:$0x0];
	s2 =	stileid.u32  }
0xc7: {  	s1 =	rddreg [dreg:$0x1];
	p0 =	sne.s32 s2, $0x0  }
0xc8: {  	s3 =	rddreg [dreg:$0x2];
	[bflag:$0x3] =	sbarrier.arrive $0xFFFF;
	s2 =	simm.s32 @!p0 $0x1C02  }
0xc9: {  	[timem:s3], [sflag:s2] =	dma.local @!p0 [hbm:s0], s1  }
0xca: {  	s0 =	simm.s32 @!p0 $0x2  }
0xcb: {  	_ =	swait.ge @!p0 [sflag:s0], s1  }
0xcc: {  	s1 =	ssub.s32 @!p0 $0x0, s1;
	[sflag:s0] =	ssyncset.done @!p0 $0x0  }
0xcd: {  	[sflag:s0] =	ssyncadd.s32 @!p0 s1  }
0xce: {  	[bflag:$0x3] =	sbarrier.arrive $0xFFFF  }
0xcf: {  	_ =	shalt  }

// kernel: kernel.15.cloned.1.call-start
scs
__scs_entry_jumppad:
0x0: {  	(pc) =	sbr.rel $0x88, $3  }
0x1: {  	(tag) =	ssettag $0x0;
	lr =	simm.s32 $0x1  }
0x2: {  	[smem:$0x3F98] =	sst lr;
	_ =	strace $0xD0000000  }
0x3: {  	_ = 	snop  }
0x4: {  	_ = 	snop  }
0x5: {  	_ = 	snop  }
0x6: {  	_ = 	snop  }
0x7: {  	_ = 	snop  }
__scs_overlays_trampoline_lowered:
0x8: {  	[smem:$0x3FA7] =	sst s0  }
0x9: {  	[smem:$0x3FA8] =	sst s1  }
0xa: {  	[smem:$0x3FA9] =	sst s2  }
0xb: {  	[smem:$0x3FAA] =	sst s3  }
0xc: {  	[smem:$0x3FAB] =	sst s4  }
0xd: {  	[smem:$0x3FAC] =	sst s5  }
0xe: {  	[smem:$0x3FAD] =	sst s6  }
0xf: {  	[smem:$0x3FAE] =	sst s7  }
0x10: {  	[smem:$0x3FAF] =	sst s8  }
0x11: {  	[smem:$0x3FB0] =	sst s9;
	s0 =	simm.s32 @!p0 $0x0  }
0x12: {  	s1 =	sld [smem:$0x3F96];
	s0 =	simm.s32 @p0 $0x1  }
0x13: {  	[smem:$0x3FB1] =	sst s0;
	s0 =	simm.s32 @!p1 $0x0  }
0x14: {  	s2 =	sld [smem:$0x3F95];
	s0 =	simm.s32 @p1 $0x1  }
0x15: {  	[smem:$0x3FB2] =	sst s0;
	s0 =	simm.s32 @!p2 $0x0  }
0x16: {  	s3 =	sld [smem:$0x3FDB];
	s0 =	simm.s32 @p2 $0x1  }
0x17: {  	s4 =	simm.s32 $0x1BF5;
	[smem:$0x3FB4] =	sst s0  }
0x18: {  	s0 =	sld [smem:$0x3F97];
	_ =	swait.ge [sflag:s4], $0x0  }
0x19: {  	s7 =	sld [smem:$0x3F98]  }
0x1a: {  	s8 =	sadd.s32 $0xFFFFE003, lr  }
0x1b: {  	s9 =	sadd.s32 $0xFFFFFEF7, lr;
	s5 =	simm.s32 $0xFFFFFFFF;
	p2 =	slt.u32 s8, $0xFFFFF086  }
0x1c: {  	p1 =	slt.u32 s9, $0xF7A;
	s5 =	simm.s32 @!p2 $0x0  }
0x1d: {  	s5 =	simm.s32 @p1 $0x1;
	p0 =	seq.s32 s7, s2  }
0x1e: {  	s7 =	smul.u32 @!p0 $0xF7A, s2;
	p2 =	seq.s32 @!p0 s5, $0x0  }
0x1f: {  	s9 =	smul.u32 $0xF7A, s1;
	s8 =	simm.s32 @!p0 $0x1BF5;
	p2 =	por !p2, p0  }
0x20: {  	[sflag:s8] =	ssyncset.s32 @!p0 $0xFFFFF086;
	s6 =	sadd.s32 @!p0 s3, s7;
	s7 =	simm.s32 @!p0 $0x108  }
0x21: {  	s3 =	sadd.s32 s3, s9;
	s6 =	sadd.s32 @!p0 $0x88, s6;
	s7 =	simm.s32 @p2 $0x1082  }
0x22: {  	[simem:s7], [sflag:s8] =	dma.local @!p0 [hbm:s6], $0xF7A  }
0x23: {  	s9 =	sor.u32 $0xD0000000, s2;
	s6 =	simm.s32 $0x108;
	_ =	swait.ge @!p0 [sflag:s8], $0x0  }
0x24: {  	s3 =	sadd.s32 $0x88, s3;
	s6 =	simm.s32 @!p1 $0x1082;
	[sflag:s4] =	ssyncset.s32 $0xFFFFF086  }
0x25: {  	[simem:s6], [sflag:s4] =	dma.local [hbm:s3], $0xF7A  }
0x26: {  	[smem:$0x3F98] =	sst s1;
	(tag) =	ssettag s2;
	_ =	strace s9  }
0x27: {  	s1 =	sld [smem:$0x3FA8]  }
0x28: {  	s2 =	sld [smem:$0x3FA9]  }
0x29: {  	s4 =	sld [smem:$0x3FAB]  }
0x2a: {  	p0 =	seq.s32 s5, $0x0;
	s5 =	sld [smem:$0x3FAC]  }
0x2b: {  	s6 =	sld [smem:$0x3FAD]  }
0x2c: {  	s7 =	sld [smem:$0x3FAE]  }
0x2d: {  	s3 =	simm.s32 $0x108;
	s8 =	sld [smem:$0x3FAF]  }
0x2e: {  	s3 =	simm.s32 @!p0 $0x1082;
	s9 =	sld [smem:$0x3FB0]  }
0x2f: {  	lr =	sadd.s32 s0, s3;
	s0 =	sld [smem:$0x3FA7]  }
0x30: {  	s3 =	sld [smem:$0x3FAA]  }
0x31: {  	[smem:$0x3FB3] =	sst s10  }
0x32: {  	s10 =	sld [smem:$0x3FB1];
	_ =	sdelay $0x3  }
0x33: {  	p0 =	seq.s32 s10, $0x1;
	s10 =	sld [smem:$0x3FB3];
	_ =	sdelay $0x3  }
0x34: {  	[smem:$0x3FB3] =	sst s10  }
0x35: {  	s10 =	sld [smem:$0x3FB2];
	_ =	sdelay $0x3  }
0x36: {  	p1 =	seq.s32 s10, $0x1;
	s10 =	sld [smem:$0x3FB3];
	_ =	sdelay $0x3  }
0x37: {  	[smem:$0x3FB3] =	sst s10  }
0x38: {  	s10 =	sld [smem:$0x3FB4]  }
0x39: {  	_ = 	snop;
	(pc) =	sbr.ind lr, $3  }
0x3a: {  	_ = 	snop  }
0x3b: {  	_ = 	snop  }
0x3c: {  	p2 =	seq.s32 s10, $0x1;
	s10 =	sld [smem:$0x3FB3]  }
0x3d: {  	_ =	shalt  }
0x3e: {  	_ =	shalt  }
0x3f: {  	_ =	shalt  }
0x40: {  	_ =	shalt  }
0x41: {  	_ =	shalt  }
0x42: {  	_ =	shalt  }
0x43: {  	_ =	shalt  }
0x44: {  	_ =	shalt  }
0x45: {  	_ =	shalt  }
0x46: {  	_ =	shalt  }
0x47: {  	_ =	shalt  }
0x48: {  	_ =	shalt  }
0x49: {  	_ =	shalt  }
0x4a: {  	_ =	shalt  }
0x4b: {  	_ =	shalt  }
0x4c: {  	_ =	shalt  }
0x4d: {  	_ =	shalt  }
0x4e: {  	_ =	shalt  }
0x4f: {  	_ =	shalt  }
0x50: {  	_ =	shalt  }
0x51: {  	_ =	shalt  }
0x52: {  	_ =	shalt  }
0x53: {  	_ =	shalt  }
0x54: {  	_ =	shalt  }
0x55: {  	_ =	shalt  }
0x56: {  	_ =	shalt  }
0x57: {  	_ =	shalt  }
0x58: {  	_ =	shalt  }
0x59: {  	_ =	shalt  }
0x5a: {  	_ =	shalt  }
0x5b: {  	_ =	shalt  }
0x5c: {  	_ =	shalt  }
0x5d: {  	_ =	shalt  }
0x5e: {  	_ =	shalt  }
0x5f: {  	_ =	shalt  }
0x60: {  	_ =	shalt  }
0x61: {  	_ =	shalt  }
0x62: {  	_ =	shalt  }
0x63: {  	_ =	shalt  }
0x64: {  	_ =	shalt  }
0x65: {  	_ =	shalt  }
0x66: {  	_ =	shalt  }
0x67: {  	_ =	shalt  }
0x68: {  	_ =	shalt  }
0x69: {  	_ =	shalt  }
0x6a: {  	_ =	shalt  }
0x6b: {  	_ =	shalt  }
0x6c: {  	_ =	shalt  }
0x6d: {  	_ =	shalt  }
0x6e: {  	_ =	shalt  }
0x6f: {  	_ =	shalt  }
0x70: {  	_ =	shalt  }
0x71: {  	_ =	shalt  }
0x72: {  	_ =	shalt  }
0x73: {  	_ =	shalt  }
0x74: {  	_ =	shalt  }
0x75: {  	_ =	shalt  }
0x76: {  	_ =	shalt  }
0x77: {  	_ =	shalt  }
0x78: {  	_ =	shalt  }
0x79: {  	_ =	shalt  }
0x7a: {  	_ =	shalt  }
0x7b: {  	_ =	shalt  }
0x7c: {  	_ =	shalt  }
0x7d: {  	_ =	shalt  }
0x7e: {  	_ =	shalt  }
0x7f: {  	_ =	shalt  }
0x80: {  	_ =	shalt  }
0x81: {  	_ =	shalt  }
0x82: {  	_ =	shalt  }
0x83: {  	_ =	shalt  }
0x84: {  	_ =	shalt  }
0x85: {  	_ =	shalt  }
0x86: {  	_ =	shalt  }
0x87: {  	_ =	shalt  }
.Lfunc_end0:
.L_simem_size_0:
called_computation.2_lowered:
.L_overlay_start_0:
0x88: {  	s2 =	sld [smem:$0x3FD9]  }
0x89: {  	s3 =	sld [smem:$0x3FFE];
	_ =	sdelay $0x1  }
0x8a: {  	s1 =	srdreg.scid  }
0x8b: {  	s0 =	sand.u32 $0x1, s1  }
0x8c: {  	s17 =	sshll.u32 s0, $0xA;
	s2 =	sadd.s32 s3, s2  }
0x8d: {  	s2 =	sadd.s32 s2, s17  }
0x8e: {  	[smem:$0x3FBF] =	sst s2  }
0x8f: {  	_ = 	snop  }
0x90: {  	s2 =	sld [smem:$0x3FD0];
	(tm) =	ssettm $0x1  }
0x91: {  	s18 =	sld [smem:$0x3FFB];
	_ =	sdelay $0x3  }
0x92: {  	_ =	strace s18  }
0x93: {  	s3 =	sld [smem:$0x3FFC];
	_ =	sdelay $0x3  }
0x94: {  	_ =	strace s3  }
0x95: {  	s3 =	sld [smem:$0x3FFD];
	_ =	sdelay $0x3  }
0x96: {  	_ =	strace s3  }
0x97: {  	_ =	strace $0x8FFFFFFF  }
0x98: {  	s19 =	sld [smem:$0x3FDB];
	_ =	sdelay $0x1  }
0x99: {  	s4 =	simm.s32 $_scs_section_size  }
0x9a: {  	s5 =	simm.s32 $_size__tile_overlayer_lowered;
	s6 =	simm.s32 $_tile_overlayer_lowered  }
0x9b: {  	s22 =	simm.s32 $0x1BFF;
	s21 =	sshll.u32 s6, $0x1;
	s3 =	sadd.s32 s4, s19  }
0x9c: {  	s7 =	simm.s32 $0x0;
	s20 =	sshll.u32 s5, $0x1;
	s5 =	sadd.s32 s21, s3  }
0x9d: {  	[timem:s7], [sflag:s22] =	dma.local [hbm:s5], s20  }
0x9e: {  	_ =	swait.ge [sflag:s22], s20  }
0x9f: {  	s4 =	ssub.s32 $0x0, s20;
	[sflag:s22] =	ssyncset.done $0x0  }
0xa0: {  	[sflag:s22] =	ssyncadd.s32 s4;
	_ =	sdelay $0x1  }
0xa1: {  	s23 =	simm.s32 $0x1B8B  }
0xa2: {  	_ =	swait.ge [sflag:s23], $0x1  }
0xa3: {  	[sflag:s23] =	ssyncset.done $0x0  }
0xa4: {  	s25 =	simm.s32 $0x1B8E;
	s24 =	sld [smem:$0x3FFE];
	[sflag:s23] =	ssyncadd.s32 $0xFFFFFFFF  }
0xa5: {  	s26 =	simm.s32 $execute0_lowered;
	[smem:$0x3FD2] =	sst s25  }
0xa6: {  	s5 =	sshll.u32 s26, $0x1;
	_ =	strace $0x8000004C;
	[dreg:$0x1] =	wrdreg $0xFFFFFFFF  }
0xa7: {  	s28 =	simm.s32 $_size_execute0_lowered;
	s3 =	sadd.s32 s3, s5;
	[dreg:$0x0] =	wrdreg $0x0  }
0xa8: {  	s5 =	sshll.u32 s28, $0x1;
	[dreg:$0x2] =	wrdreg s3  }
0xa9: {  	[dreg:$0x3] =	wrdreg s5  }
0xaa: {  	[dreg:$0x4] =	wrdreg $0xC0  }
0xab: {  	_ =	task [dreg:s7], $0x5FFFF  }
0xac: {  	[dreg:$0x1] =	wrdreg $0xFFFFFFFF  }
0xad: {  	[dreg:$0x0] =	wrdreg $0x60  }
0xae: {  	[dreg:$0x2] =	wrdreg s24  }
0xaf: {  	[dreg:$0x3] =	wrdreg s2  }
0xb0: {  	[dreg:$0x4] =	wrdreg $0x9  }
0xb1: {  	_ =	task.clear_ibuf [dreg:s7], $0x5FFFF;
	_ =	strace $0x9000004C  }
0xb2: {  	s29 =	simm.s32 $0x9;
	_ =	strace $0x8000004E  }
0xb3: {  	_ =	swait.ge [sflag:s29], $0x1  }
0xb4: {  	[sflag:s29] =	ssyncadd.s32 $0xFFFFFFFF  }
0xb5: {  	_ =	strace $0x9000004E  }
0xb6: {  	_ =	sfence  }
0xb7: {  	s30 =	sld [smem:$0x0];
	_ =	sdelay $0x2  }
0xb8: {  	s31 =	sshll.u32 s1, $0xD;
	s1 =	sshrl.u32 s1, $0x2  }
0xb9: {  	s3 =	sand.u32 $0x4000, s31;
	s1 =	sadd.s32 s1, s30  }
0xba: {  	s0 =	sor.u32 s3, s0;
	s1 =	sshll.u32 s1, $0x11  }
0xbb: {  	s0 =	sor.u32 s1, s0  }
0xbc: {  	s0 =	sadd.s32 $0x8F2B, s0  }
0xbd: {  	[sflag:s0] =	ssyncadd.remote.s32 $0x1  }
0xbe: {  	_ =	sfence.sel $0xFFFF  }
0xbf: {  	[dreg:$0x0] =	wrdreg $0xFFFFFFFF;
	(pc) =	sbr.abs _section_cstart, $3  }
0xc0: {  	[dreg:$0x1] =	wrdreg $0xFFFFFFFF  }
0xc1: {  	_ =	task.clear_ibuf [dreg:s7], $0x2FFFF;
	_ =	strace $0x9FFFFFFF  }
0xc2: {  	(tm) =	ssettm $0x7FFFFFFF  }
0xc3: {  	_ =	shalt  }
tec
execute0_lowered:
.L_overlay_start_1:
0x0: {  	(tag) =	ssettag $0x1  }
0x1: {  	s0 =	rddreg [dreg:$0x0]  }
0x2: {  	s5 =	rddreg [dreg:$0x1];
	s3 =	srdreg.scid  }
0x3: {  	s2 =	simm.s32 $0x0;
	s1 =	stileid.u32;
	s26 =	simm.s32 $0x880  }
0x4: {  	s10 =	simm.s32 $0x1880;
	s11 =	simm.s32 $0x2080;
	s12 =	simm.s32 $0x2880  }
0x5: {  	s13 =	simm.s32 $0x3080;
	s14 =	simm.s32 $0x3880;
	s15 =	simm.s32 $0x4080  }
0x6: {  	s16 =	simm.s32 $0x4880;
	s17 =	simm.s32 $0x5080;
	s18 =	simm.s32 $0x5880  }
0x7: {  	s19 =	simm.s32 $0x6080;
	s20 =	simm.s32 $0x6880;
	s21 =	simm.s32 $0x7080  }
0x8: {  	s22 =	simm.s32 $0x7880;
	s28 =	simm.s32 $0xA080;
	s29 =	simm.s32 $0xA880  }
0x9: {  	s30 =	simm.s32 $0xB080;
	s31 =	simm.s32 $0xB880;
	s3 =	sand.u32 $0x1, s3  }
0xa: {  	[smem:$0x7FF] =	sst s2;
	s4 =	sshll.u32 s1, $0x4;
	s6 =	sshll.u32 s3, $0x3  }
0xb: {  	_ =	strace $0x8000004D;
	s23 =	ssub.s32 $0x2, s3;
	s3 =	sadd.s32 $0x1000, s0  }
0xc: {  	[dreg:$0x5] =	wrdreg s26;
	s26 =	simm.s32 $0x9880;
	s4 =	sor.u32 s6, s4  }
0xd: {  	s8 =	sshrl.u32 s23, $0x1;
	s7 =	sadd.s32 s4, s0;
	s9 =	smul.u32 $0x300, s4  }
0xe: {  	s6 =	ssub.s32 s23, s8;
	s4 =	sadd.s32 $0x1100, s0;
	s8 =	simm.s32 $0x80  }
0xf: {  	s23 =	simm.s32 $0x8080;
	s24 =	sadd.s32 $0x49000, s7;
	s6 =	smax.u32 s6, $0x1  }
0x10: {  	v2 =	vlaneseq.u32;
	s7 =	simm.s32 $0x2;
	[dreg:$0x3] =	wrdreg s24;
	s25 =	sadd.s32 s5, s9  }
0x11: {  	vm0 =	vmmov $0xffff;
	v1 =	vshrl.u32 v2, $0x3;
	s5 =	sadd.s32 $0x1200, s0;
	s9 =	simm.s32 $0x1080;
	s24 =	simm.s32 $0x8880  }
0x12: {  	v0 =	vand.u32 $0x7, v2;
	v2 =	vor.u32 $0x8, v2;
	v1 =	vmul.u32 $0x8, v1;
	s0 =	simm.s32 $0x1;
	[dreg:$0x4] =	wrdreg s25;
	s25 =	simm.s32 $0x9080  }
.LBB2_1:
0x13: {  	s1 =	rddreg [dreg:$0x3]  }
0x14: {  	[tilespmem:s2], [sflag:$0x2] =	stream.linear.gather [hbm4b:s1+s2], $0x40, $0x38;
	[tilespmem:$0xC080] =	vst v63  }
0x15: {  	_ =	swait.ge [sflag:s7], $0x40  }
0x16: {  	[sflag:s7] =	ssyncset.done $0x0  }
0x17: {  	[sflag:s7] =	ssyncadd.s32 $0xFFFFFFC0  }
0x18: {  	v3 =	vld [tilespmem:$0x0];
	_ =	sdelay $0x4  }
0x19: {  	v4 =	vshrl.u32 v3, $0x3  }
0x1a: {  	v4 =	vmul.u32 $0x30, v4  }
0x1b: {  	v3 =	vand.u32 $0x7, v3  }
0x1c: {  	v3 =	vor.u32 v3, v4  }
0x1d: {  	v4 =	vperm.xlane v3, v0;
	_ =	sdelay $0x1  }
0x1e: {  	v4 =	vadd.s32 v1, v4;
	_ =	sdelay $0x3  }
0x1f: {  	v3 =	vperm.xlane v3, v2  }
0x20: {  	[tilespmem:s8], [sflag:$0x1] =	stream.indirect_vreg.gather [hbm4b:s3+s2], $0x80, v4, vm0, $0xb8;
	[tilespmem:$0xC080] =	vst v63  }
0x21: {  	s1 =	rddreg [dreg:$0x5];
	v3 =	vadd.s32 v1, v3  }
0x22: {  	[tilespmem:s1], [sflag:$0x1] =	stream.indirect_vreg.gather [hbm4b:s4+s2], $0x80, v4, vm0, $0xb8;
	[tilespmem:$0xC080] =	vst v63  }
0x23: {  	_ = 	snop  }
0x24: {  	[tilespmem:s9], [sflag:$0x1] =	stream.indirect_vreg.gather [hbm4b:s5+s2], $0x80, v4, vm0, $0xb8;
	[tilespmem:$0xC080] =	vst v63  }
0x25: {  	_ = 	snop  }
0x26: {  	[tilespmem:s10], [sflag:$0x1] =	stream.indirect_vreg.gather [hbm4b:s3+s2], $0x80, v3, vm0, $0xb8;
	[tilespmem:$0xC080] =	vst v63  }
0x27: {  	_ = 	snop  }
0x28: {  	[tilespmem:s11], [sflag:$0x1] =	stream.indirect_vreg.gather [hbm4b:s4+s2], $0x80, v3, vm0, $0xb8;
	[tilespmem:$0xC080] =	vst v63  }
0x29: {  	_ = 	snop  }
0x2a: {  	[tilespmem:s12], [sflag:$0x1] =	stream.indirect_vreg.gather [hbm4b:s5+s2], $0x80, v3, vm0, $0xb8;
	[tilespmem:$0xC080] =	vst v63  }
0x2b: {  	v3 =	vld [tilespmem:$0x10];
	_ =	sdelay $0x4  }
0x2c: {  	v61 =	vshrl.u32 v3, $0x3  }
0x2d: {  	v4 =	vmul.u32 $0x30, v61  }
0x2e: {  	v3 =	vand.u32 $0x7, v3  }
0x2f: {  	v3 =	vor.u32 v3, v4  }
0x30: {  	v4 =	vperm.xlane v3, v0;
	_ =	sdelay $0x1  }
0x31: {  	v4 =	vadd.s32 v1, v4;
	_ =	sdelay $0x3  }
0x32: {  	v3 =	vperm.xlane v3, v2  }
0x33: {  	[tilespmem:s13], [sflag:$0x1] =	stream.indirect_vreg.gather [hbm4b:s3+s2], $0x80, v4, vm0, $0xb8;
	[tilespmem:$0xC080] =	vst v63  }
0x34: {  	v3 =	vadd.s32 v1, v3  }
0x35: {  	[tilespmem:s14], [sflag:$0x1] =	stream.indirect_vreg.gather [hbm4b:s4+s2], $0x80, v4, vm0, $0xb8;
	[tilespmem:$0xC080] =	vst v63  }
0x36: {  	_ = 	snop  }
0x37: {  	[tilespmem:s15], [sflag:$0x1] =	stream.indirect_vreg.gather [hbm4b:s5+s2], $0x80, v4, vm0, $0xb8;
	[tilespmem:$0xC080] =	vst v63  }
0x38: {  	_ = 	snop  }
0x39: {  	[tilespmem:s16], [sflag:$0x1] =	stream.indirect_vreg.gather [hbm4b:s3+s2], $0x80, v3, vm0, $0xb8;
	[tilespmem:$0xC080] =	vst v63  }
0x3a: {  	_ = 	snop  }
0x3b: {  	[tilespmem:s17], [sflag:$0x1] =	stream.indirect_vreg.gather [hbm4b:s4+s2], $0x80, v3, vm0, $0xb8;
	[tilespmem:$0xC080] =	vst v63  }
0x3c: {  	_ = 	snop  }
0x3d: {  	[tilespmem:s18], [sflag:$0x1] =	stream.indirect_vreg.gather [hbm4b:s5+s2], $0x80, v3, vm0, $0xb8;
	[tilespmem:$0xC080] =	vst v63  }
0x3e: {  	v3 =	vld [tilespmem:$0x20];
	_ =	sdelay $0x4  }
0x3f: {  	v62 =	vshrl.u32 v3, $0x3  }
0x40: {  	v4 =	vmul.u32 $0x30, v62  }
0x41: {  	v3 =	vand.u32 $0x7, v3  }
0x42: {  	v3 =	vor.u32 v3, v4  }
0x43: {  	v4 =	vperm.xlane v3, v0;
	_ =	sdelay $0x1  }
0x44: {  	v4 =	vadd.s32 v1, v4;
	_ =	sdelay $0x3  }
0x45: {  	v3 =	vperm.xlane v3, v2  }
0x46: {  	[tilespmem:s19], [sflag:$0x1] =	stream.indirect_vreg.gather [hbm4b:s3+s2], $0x80, v4, vm0, $0xb8;
	[tilespmem:$0xC080] =	vst v63  }
0x47: {  	v3 =	vadd.s32 v1, v3  }
0x48: {  	[tilespmem:s20], [sflag:$0x1] =	stream.indirect_vreg.gather [hbm4b:s4+s2], $0x80, v4, vm0, $0xb8;
	[tilespmem:$0xC080] =	vst v63  }
0x49: {  	_ = 	snop  }
0x4a: {  	[tilespmem:s21], [sflag:$0x1] =	stream.indirect_vreg.gather [hbm4b:s5+s2], $0x80, v4, vm0, $0xb8;
	[tilespmem:$0xC080] =	vst v63  }
0x4b: {  	_ = 	snop  }
0x4c: {  	[tilespmem:s22], [sflag:$0x1] =	stream.indirect_vreg.gather [hbm4b:s3+s2], $0x80, v3, vm0, $0xb8;
	[tilespmem:$0xC080] =	vst v63  }
0x4d: {  	_ = 	snop  }
0x4e: {  	[tilespmem:s23], [sflag:$0x1] =	stream.indirect_vreg.gather [hbm4b:s4+s2], $0x80, v3, vm0, $0xb8;
	[tilespmem:$0xC080] =	vst v63  }
0x4f: {  	_ = 	snop  }
0x50: {  	[tilespmem:s24], [sflag:$0x1] =	stream.indirect_vreg.gather [hbm4b:s5+s2], $0x80, v3, vm0, $0xb8;
	[tilespmem:$0xC080] =	vst v63  }
0x51: {  	v3 =	vld [tilespmem:$0x30];
	_ =	sdelay $0x4  }
0x52: {  	v63 =	vshrl.u32 v3, $0x3  }
0x53: {  	v4 =	vmul.u32 $0x30, v63  }
0x54: {  	v3 =	vand.u32 $0x7, v3  }
0x55: {  	v3 =	vor.u32 v3, v4  }
0x56: {  	v4 =	vperm.xlane v3, v0;
	_ =	sdelay $0x1  }
0x57: {  	v4 =	vadd.s32 v1, v4;
	_ =	sdelay $0x3  }
0x58: {  	v3 =	vperm.xlane v3, v2  }
0x59: {  	[tilespmem:s25], [sflag:$0x1] =	stream.indirect_vreg.gather [hbm4b:s3+s2], $0x80, v4, vm0, $0xb8;
	[tilespmem:$0xC080] =	vst v63  }
0x5a: {  	v3 =	vadd.s32 v1, v3  }
0x5b: {  	[tilespmem:s26], [sflag:$0x1] =	stream.indirect_vreg.gather [hbm4b:s4+s2], $0x80, v4, vm0, $0xb8;
	[tilespmem:$0xC080] =	vst v63  }
0x5c: {  	_ = 	snop  }
0x5d: {  	[tilespmem:s28], [sflag:$0x1] =	stream.indirect_vreg.gather [hbm4b:s5+s2], $0x80, v4, vm0, $0xb8;
	[tilespmem:$0xC080] =	vst v63  }
0x5e: {  	_ = 	snop  }
0x5f: {  	[tilespmem:s29], [sflag:$0x1] =	stream.indirect_vreg.gather [hbm4b:s3+s2], $0x80, v3, vm0, $0xb8;
	[tilespmem:$0xC080] =	vst v63  }
0x60: {  	_ = 	snop  }
0x61: {  	[tilespmem:s30], [sflag:$0x1] =	stream.indirect_vreg.gather [hbm4b:s4+s2], $0x80, v3, vm0, $0xb8;
	[tilespmem:$0xC080] =	vst v63  }
0x62: {  	_ = 	snop  }
0x63: {  	[tilespmem:s31], [sflag:$0x1] =	stream.indirect_vreg.gather [hbm4b:s5+s2], $0x80, v3, vm0, $0xb8;
	[tilespmem:$0xC080] =	vst v63  }
0x64: {  	_ =	swait.ge [sflag:s0], $0xC000  }
0x65: {  	p0 =	sne.s32 s6, $0x1;
	[sflag:s0] =	ssyncset.done $0x0  }
.Ltmp0:
0x66: {  	s1 =	rddreg [dreg:$0x4];
	[sflag:s0] =	ssyncadd.s32 $0xFFFF4000;
	(pc) =	sbr.rel @p0 .LBB2_1-.Ltmp0, $4  }
0x67: {  	[hbm4b:s1+s2] =	stream.linear.scatter [tilespmem:s8], [sflag:$0x2], $0xC000, $0x38;
	[tilespmem:$0xC080] =	vst v63  }
0x68: {  	_ =	swait.ge [sflag:s7], $0xC000  }
0x69: {  	[sflag:s7] =	ssyncset.done $0x0  }
0x6a: {  	s6 =	sadd.s32 $0xFFFFFFFF, s6;
	[sflag:s7] =	ssyncadd.s32 $0xFFFF4000  }
0x6b: {  	_ =	sfence.sel $0x180000  }
0x6c: {  	[bflag:$0x0] =	sbarrier.arrive $0xFFFF  }
0x6d: {  	_ =	strace $0x9000004D  }
0x6e: {  	s0 =	stileid.u32;
	[bflag:$0x2] =	sbarrier.arrive $0xFFFF  }
0x6f: {  	p0 =	sne.s32 s0, $0x0;
	s0 =	rddreg [dreg:$0x2]  }
0x70: {  	s0 =	sadd.s32 @!p0 $0x100000, s0  }
0x71: {  	[sflag:s0] =	ssyncadd.tile.s32 @!p0 $0x1;
	_ =	shalt  }
.Lfunc_end2:
_tile_overlayer_lowered:
.L_overlay_start_2:
0x72: {  	(tag) =	ssettag $0x2  }
0x73: {  	s0 =	rddreg [dreg:$0x0];
	s2 =	stileid.u32  }
0x74: {  	s1 =	rddreg [dreg:$0x1];
	p0 =	sne.s32 s2, $0x0  }
0x75: {  	s3 =	rddreg [dreg:$0x2];
	[bflag:$0x3] =	sbarrier.arrive $0xFFFF;
	s2 =	simm.s32 @!p0 $0x1C02  }
0x76: {  	[timem:s3], [sflag:s2] =	dma.local @!p0 [hbm:s0], s1  }
0x77: {  	s0 =	simm.s32 @!p0 $0x2  }
0x78: {  	_ =	swait.ge @!p0 [sflag:s0], s1  }
0x79: {  	s1 =	ssub.s32 @!p0 $0x0, s1;
	[sflag:s0] =	ssyncset.done @!p0 $0x0  }
0x7a: {  	[sflag:s0] =	ssyncadd.s32 @!p0 s1  }
0x7b: {  	[bflag:$0x3] =	sbarrier.arrive $0xFFFF  }
0x7c: {  	_ =	shalt  }

// kernel: kernel.9.cloned.1.call-start
scs
__scs_entry_jumppad:
0x0: {  	(pc) =	sbr.rel $0x88, $3  }
0x1: {  	(tag) =	ssettag $0x0;
	lr =	simm.s32 $0x1  }
0x2: {  	[smem:$0x3F98] =	sst lr;
	_ =	strace $0xD0000000  }
0x3: {  	_ = 	snop  }
0x4: {  	_ = 	snop  }
0x5: {  	_ = 	snop  }
0x6: {  	_ = 	snop  }
0x7: {  	_ = 	snop  }
__scs_overlays_trampoline_lowered:
0x8: {  	[smem:$0x3FA7] =	sst s0  }
0x9: {  	[smem:$0x3FA8] =	sst s1  }
0xa: {  	[smem:$0x3FA9] =	sst s2  }
0xb: {  	[smem:$0x3FAA] =	sst s3  }
0xc: {  	[smem:$0x3FAB] =	sst s4  }
0xd: {  	[smem:$0x3FAC] =	sst s5  }
0xe: {  	[smem:$0x3FAD] =	sst s6  }
0xf: {  	[smem:$0x3FAE] =	sst s7  }
0x10: {  	[smem:$0x3FAF] =	sst s8  }
0x11: {  	[smem:$0x3FB0] =	sst s9;
	s0 =	simm.s32 @!p0 $0x0  }
0x12: {  	s1 =	sld [smem:$0x3F96];
	s0 =	simm.s32 @p0 $0x1  }
0x13: {  	[smem:$0x3FB1] =	sst s0;
	s0 =	simm.s32 @!p1 $0x0  }
0x14: {  	s2 =	sld [smem:$0x3F95];
	s0 =	simm.s32 @p1 $0x1  }
0x15: {  	[smem:$0x3FB2] =	sst s0;
	s0 =	simm.s32 @!p2 $0x0  }
0x16: {  	s3 =	sld [smem:$0x3FDB];
	s0 =	simm.s32 @p2 $0x1  }
0x17: {  	s4 =	simm.s32 $0x1BF5;
	[smem:$0x3FB4] =	sst s0  }
0x18: {  	s0 =	sld [smem:$0x3F97];
	_ =	swait.ge [sflag:s4], $0x0  }
0x19: {  	s7 =	sld [smem:$0x3F98]  }
0x1a: {  	s8 =	sadd.s32 $0xFFFFE003, lr  }
0x1b: {  	s9 =	sadd.s32 $0xFFFFFEF7, lr;
	s5 =	simm.s32 $0xFFFFFFFF;
	p2 =	slt.u32 s8, $0xFFFFF086  }
0x1c: {  	p1 =	slt.u32 s9, $0xF7A;
	s5 =	simm.s32 @!p2 $0x0  }
0x1d: {  	s5 =	simm.s32 @p1 $0x1;
	p0 =	seq.s32 s7, s2  }
0x1e: {  	s7 =	smul.u32 @!p0 $0xF7A, s2;
	p2 =	seq.s32 @!p0 s5, $0x0  }
0x1f: {  	s9 =	smul.u32 $0xF7A, s1;
	s8 =	simm.s32 @!p0 $0x1BF5;
	p2 =	por !p2, p0  }
0x20: {  	[sflag:s8] =	ssyncset.s32 @!p0 $0xFFFFF086;
	s6 =	sadd.s32 @!p0 s3, s7;
	s7 =	simm.s32 @!p0 $0x108  }
0x21: {  	s3 =	sadd.s32 s3, s9;
	s6 =	sadd.s32 @!p0 $0x88, s6;
	s7 =	simm.s32 @p2 $0x1082  }
0x22: {  	[simem:s7], [sflag:s8] =	dma.local @!p0 [hbm:s6], $0xF7A  }
0x23: {  	s9 =	sor.u32 $0xD0000000, s2;
	s6 =	simm.s32 $0x108;
	_ =	swait.ge @!p0 [sflag:s8], $0x0  }
0x24: {  	s3 =	sadd.s32 $0x88, s3;
	s6 =	simm.s32 @!p1 $0x1082;
	[sflag:s4] =	ssyncset.s32 $0xFFFFF086  }
0x25: {  	[simem:s6], [sflag:s4] =	dma.local [hbm:s3], $0xF7A  }
0x26: {  	[smem:$0x3F98] =	sst s1;
	(tag) =	ssettag s2;
	_ =	strace s9  }
0x27: {  	s1 =	sld [smem:$0x3FA8]  }
0x28: {  	s2 =	sld [smem:$0x3FA9]  }
0x29: {  	s4 =	sld [smem:$0x3FAB]  }
0x2a: {  	p0 =	seq.s32 s5, $0x0;
	s5 =	sld [smem:$0x3FAC]  }
0x2b: {  	s6 =	sld [smem:$0x3FAD]  }
0x2c: {  	s7 =	sld [smem:$0x3FAE]  }
0x2d: {  	s3 =	simm.s32 $0x108;
	s8 =	sld [smem:$0x3FAF]  }
0x2e: {  	s3 =	simm.s32 @!p0 $0x1082;
	s9 =	sld [smem:$0x3FB0]  }
0x2f: {  	lr =	sadd.s32 s0, s3;
	s0 =	sld [smem:$0x3FA7]  }
0x30: {  	s3 =	sld [smem:$0x3FAA]  }
0x31: {  	[smem:$0x3FB3] =	sst s10  }
0x32: {  	s10 =	sld [smem:$0x3FB1];
	_ =	sdelay $0x3  }
0x33: {  	p0 =	seq.s32 s10, $0x1;
	s10 =	sld [smem:$0x3FB3];
	_ =	sdelay $0x3  }
0x34: {  	[smem:$0x3FB3] =	sst s10  }
0x35: {  	s10 =	sld [smem:$0x3FB2];
	_ =	sdelay $0x3  }
0x36: {  	p1 =	seq.s32 s10, $0x1;
	s10 =	sld [smem:$0x3FB3];
	_ =	sdelay $0x3  }
0x37: {  	[smem:$0x3FB3] =	sst s10  }
0x38: {  	s10 =	sld [smem:$0x3FB4]  }
0x39: {  	_ = 	snop;
	(pc) =	sbr.ind lr, $3  }
0x3a: {  	_ = 	snop  }
0x3b: {  	_ = 	snop  }
0x3c: {  	p2 =	seq.s32 s10, $0x1;
	s10 =	sld [smem:$0x3FB3]  }
0x3d: {  	_ =	shalt  }
0x3e: {  	_ =	shalt  }
0x3f: {  	_ =	shalt  }
0x40: {  	_ =	shalt  }
0x41: {  	_ =	shalt  }
0x42: {  	_ =	shalt  }
0x43: {  	_ =	shalt  }
0x44: {  	_ =	shalt  }
0x45: {  	_ =	shalt  }
0x46: {  	_ =	shalt  }
0x47: {  	_ =	shalt  }
0x48: {  	_ =	shalt  }
0x49: {  	_ =	shalt  }
0x4a: {  	_ =	shalt  }
0x4b: {  	_ =	shalt  }
0x4c: {  	_ =	shalt  }
0x4d: {  	_ =	shalt  }
0x4e: {  	_ =	shalt  }
0x4f: {  	_ =	shalt  }
0x50: {  	_ =	shalt  }
0x51: {  	_ =	shalt  }
0x52: {  	_ =	shalt  }
0x53: {  	_ =	shalt  }
0x54: {  	_ =	shalt  }
0x55: {  	_ =	shalt  }
0x56: {  	_ =	shalt  }
0x57: {  	_ =	shalt  }
0x58: {  	_ =	shalt  }
0x59: {  	_ =	shalt  }
0x5a: {  	_ =	shalt  }
0x5b: {  	_ =	shalt  }
0x5c: {  	_ =	shalt  }
0x5d: {  	_ =	shalt  }
0x5e: {  	_ =	shalt  }
0x5f: {  	_ =	shalt  }
0x60: {  	_ =	shalt  }
0x61: {  	_ =	shalt  }
0x62: {  	_ =	shalt  }
0x63: {  	_ =	shalt  }
0x64: {  	_ =	shalt  }
0x65: {  	_ =	shalt  }
0x66: {  	_ =	shalt  }
0x67: {  	_ =	shalt  }
0x68: {  	_ =	shalt  }
0x69: {  	_ =	shalt  }
0x6a: {  	_ =	shalt  }
0x6b: {  	_ =	shalt  }
0x6c: {  	_ =	shalt  }
0x6d: {  	_ =	shalt  }
0x6e: {  	_ =	shalt  }
0x6f: {  	_ =	shalt  }
0x70: {  	_ =	shalt  }
0x71: {  	_ =	shalt  }
0x72: {  	_ =	shalt  }
0x73: {  	_ =	shalt  }
0x74: {  	_ =	shalt  }
0x75: {  	_ =	shalt  }
0x76: {  	_ =	shalt  }
0x77: {  	_ =	shalt  }
0x78: {  	_ =	shalt  }
0x79: {  	_ =	shalt  }
0x7a: {  	_ =	shalt  }
0x7b: {  	_ =	shalt  }
0x7c: {  	_ =	shalt  }
0x7d: {  	_ =	shalt  }
0x7e: {  	_ =	shalt  }
0x7f: {  	_ =	shalt  }
0x80: {  	_ =	shalt  }
0x81: {  	_ =	shalt  }
0x82: {  	_ =	shalt  }
0x83: {  	_ =	shalt  }
0x84: {  	_ =	shalt  }
0x85: {  	_ =	shalt  }
0x86: {  	_ =	shalt  }
0x87: {  	_ =	shalt  }
.Lfunc_end0:
.L_simem_size_0:
called_computation_lowered:
.L_overlay_start_0:
0x88: {  	s2 =	sld [smem:$0x3FD9]  }
0x89: {  	s3 =	sld [smem:$0x3FFE];
	_ =	sdelay $0x1  }
0x8a: {  	s1 =	srdreg.scid  }
0x8b: {  	s0 =	sand.u32 $0x1, s1  }
0x8c: {  	s17 =	sshll.u32 s0, $0xA;
	s2 =	sadd.s32 s3, s2  }
0x8d: {  	s2 =	sadd.s32 s2, s17  }
0x8e: {  	[smem:$0x3FBF] =	sst s2  }
0x8f: {  	_ = 	snop  }
0x90: {  	s2 =	sld [smem:$0x3FC9]  }
0x91: {  	s18 =	sld [smem:$0x3FD0];
	(tm) =	ssettm $0x1  }
0x92: {  	s4 =	sld [smem:$0x3FFB];
	_ =	sdelay $0x3  }
0x93: {  	_ =	strace s4  }
0x94: {  	s4 =	sld [smem:$0x3FFC];
	_ =	sdelay $0x3  }
0x95: {  	_ =	strace s4  }
0x96: {  	s4 =	sld [smem:$0x3FFD];
	_ =	sdelay $0x3  }
0x97: {  	_ =	strace s4  }
0x98: {  	_ =	strace $0x8FFFFFFF  }
0x99: {  	s19 =	sld [smem:$0x3FDB];
	_ =	sdelay $0x1  }
0x9a: {  	s5 =	simm.s32 $_scs_section_size  }
0x9b: {  	s6 =	simm.s32 $_size__tile_overlayer_lowered;
	s7 =	simm.s32 $_tile_overlayer_lowered  }
0x9c: {  	s22 =	simm.s32 $0x1BFF;
	s21 =	sshll.u32 s7, $0x1;
	s4 =	sadd.s32 s5, s19  }
0x9d: {  	s8 =	simm.s32 $0x0;
	s20 =	sshll.u32 s6, $0x1;
	s6 =	sadd.s32 s21, s4  }
0x9e: {  	[timem:s8], [sflag:s22] =	dma.local [hbm:s6], s20  }
0x9f: {  	_ =	swait.ge [sflag:s22], s20  }
0xa0: {  	s5 =	ssub.s32 $0x0, s20;
	[sflag:s22] =	ssyncset.done $0x0  }
0xa1: {  	[sflag:s22] =	ssyncadd.s32 s5;
	_ =	sdelay $0x1  }
0xa2: {  	s23 =	simm.s32 $0x1B8B  }
0xa3: {  	_ =	swait.ge [sflag:s23], $0x1  }
0xa4: {  	[sflag:s23] =	ssyncset.done $0x0  }
0xa5: {  	s25 =	simm.s32 $0x1B8E;
	s24 =	sld [smem:$0x3FFE];
	[sflag:s23] =	ssyncadd.s32 $0xFFFFFFFF  }
0xa6: {  	s26 =	simm.s32 $execute0_lowered;
	[smem:$0x3FD2] =	sst s25  }
0xa7: {  	s6 =	sshll.u32 s26, $0x1;
	_ =	strace $0x80000046;
	[dreg:$0x1] =	wrdreg $0xFFFFFFFF  }
0xa8: {  	s28 =	simm.s32 $_size_execute0_lowered;
	s4 =	sadd.s32 s4, s6;
	[dreg:$0x0] =	wrdreg $0x0  }
0xa9: {  	s6 =	sshll.u32 s28, $0x1;
	[dreg:$0x2] =	wrdreg s4  }
0xaa: {  	[dreg:$0x3] =	wrdreg s6  }
0xab: {  	[dreg:$0x4] =	wrdreg $0xC0  }
0xac: {  	_ =	task [dreg:s8], $0x5FFFF  }
0xad: {  	[dreg:$0x1] =	wrdreg $0xFFFFFFFF  }
0xae: {  	[dreg:$0x0] =	wrdreg $0x60  }
0xaf: {  	[dreg:$0x2] =	wrdreg s2  }
0xb0: {  	[dreg:$0x3] =	wrdreg s18  }
0xb1: {  	[dreg:$0x4] =	wrdreg s24  }
0xb2: {  	[dreg:$0x5] =	wrdreg $0x9  }
0xb3: {  	_ =	task.clear_ibuf [dreg:s8], $0x6FFFF;
	_ =	strace $0x90000046  }
0xb4: {  	s29 =	simm.s32 $0x9;
	_ =	strace $0x80000048  }
0xb5: {  	_ =	swait.ge [sflag:s29], $0x1  }
0xb6: {  	[sflag:s29] =	ssyncadd.s32 $0xFFFFFFFF  }
0xb7: {  	_ =	strace $0x90000048  }
0xb8: {  	_ =	sfence  }
0xb9: {  	s30 =	sld [smem:$0x0];
	_ =	sdelay $0x2  }
0xba: {  	s31 =	sshll.u32 s1, $0xD;
	s1 =	sshrl.u32 s1, $0x2  }
0xbb: {  	s3 =	sand.u32 $0x4000, s31;
	s1 =	sadd.s32 s1, s30  }
0xbc: {  	s0 =	sor.u32 s3, s0;
	s1 =	sshll.u32 s1, $0x11  }
0xbd: {  	s0 =	sor.u32 s1, s0  }
0xbe: {  	s0 =	sadd.s32 $0x8F2B, s0  }
0xbf: {  	[sflag:s0] =	ssyncadd.remote.s32 $0x1  }
0xc0: {  	_ =	sfence.sel $0xFFFF  }
0xc1: {  	[dreg:$0x0] =	wrdreg $0xFFFFFFFF;
	(pc) =	sbr.abs _section_cstart, $3  }
0xc2: {  	[dreg:$0x1] =	wrdreg $0xFFFFFFFF  }
0xc3: {  	_ =	task.clear_ibuf [dreg:s8], $0x2FFFF;
	_ =	strace $0x9FFFFFFF  }
0xc4: {  	(tm) =	ssettm $0x7FFFFFFF  }
0xc5: {  	_ =	shalt  }
tec
execute0_lowered:
.L_overlay_start_1:
0x0: {  	(tag) =	ssettag $0x1  }
0x1: {  	s1 =	rddreg [dreg:$0x0]  }
0x2: {  	s2 =	srdreg.scid;
	s3 =	rddreg [dreg:$0x1]  }
0x3: {  	s0 =	stileid.u32;
	s5 =	rddreg [dreg:$0x2];
	s8 =	simm.s32 $0x80  }
0x4: {  	s26 =	simm.s32 $0x880;
	s9 =	simm.s32 $0x1080;
	s10 =	simm.s32 $0x1880  }
0x5: {  	s11 =	simm.s32 $0x2080;
	s12 =	simm.s32 $0x2880;
	s13 =	simm.s32 $0x3080  }
0x6: {  	s14 =	simm.s32 $0x3880;
	s15 =	simm.s32 $0x4080;
	s16 =	simm.s32 $0x4880  }
0x7: {  	s17 =	simm.s32 $0x5080;
	s18 =	simm.s32 $0x5880;
	s19 =	simm.s32 $0x6080  }
0x8: {  	s20 =	simm.s32 $0x6880;
	s21 =	simm.s32 $0x7080;
	s22 =	simm.s32 $0x7880  }
0x9: {  	s23 =	simm.s32 $0x8080;
	s24 =	simm.s32 $0x8880;
	s28 =	simm.s32 $0xA080  }
0xa: {  	s29 =	simm.s32 $0xA880;
	s30 =	simm.s32 $0xB080;
	s31 =	simm.s32 $0xB880  }
0xb: {  	s4 =	sand.u32 $0x1, s2;
	s6 =	sshll.u32 s0, $0x4;
	s2 =	simm.s32 $0x0  }
0xc: {  	s7 =	sshll.u32 s4, $0x3;
	[smem:$0x7FF] =	sst s2;
	s4 =	ssub.s32 $0x2, s4  }
0xd: {  	s6 =	sor.u32 s7, s6;
	_ =	strace $0x80000047;
	s25 =	sshrl.u32 s4, $0x1  }
0xe: {  	[dreg:$0x6] =	wrdreg s26;
	s26 =	simm.s32 $0x9880;
	s7 =	smul.u32 $0x300, s6  }
0xf: {  	s3 =	sadd.s32 s3, s6;
	s6 =	ssub.s32 s4, s25;
	s4 =	sadd.s32 $0x1100, s5  }
0x10: {  	v2 =	vlaneseq.u32;
	s25 =	simm.s32 $0x9080;
	[dreg:$0x4] =	wrdreg s3;
	s3 =	sadd.s32 $0x1000, s5  }
0x11: {  	vm0 =	vmmov $0xffff;
	v1 =	vshrl.u32 v2, $0x3;
	s5 =	sadd.s32 $0x1200, s5;
	s6 =	smax.u32 s6, $0x1;
	s1 =	sadd.s32 s1, s7  }
0x12: {  	v0 =	vand.u32 $0x7, v2;
	v2 =	vor.u32 $0x8, v2;
	v1 =	vmul.u32 $0x8, v1;
	s7 =	simm.s32 $0x2;
	[dreg:$0x5] =	wrdreg s1;
	s1 =	simm.s32 $0x1  }
.LBB2_1:
0x13: {  	s0 =	rddreg [dreg:$0x4]  }
0x14: {  	[tilespmem:s2], [sflag:$0x2] =	stream.linear.gather [hbm4b:s0+s2], $0x40, $0x38;
	[tilespmem:$0xC080] =	vst v63  }
0x15: {  	_ =	swait.ge [sflag:s7], $0x40  }
0x16: {  	[sflag:s7] =	ssyncset.done $0x0  }
0x17: {  	s0 =	rddreg [dreg:$0x5];
	[sflag:s7] =	ssyncadd.s32 $0xFFFFFFC0  }
0x18: {  	[tilespmem:s8], [sflag:$0x2] =	stream.linear.gather [hbm4b:s0+s2], $0xC000, $0x38;
	[tilespmem:$0xC080] =	vst v63  }
0x19: {  	_ =	swait.ge [sflag:s7], $0xC000  }
0x1a: {  	[sflag:s7] =	ssyncset.done $0x0  }
0x1b: {  	[sflag:s7] =	ssyncadd.s32 $0xFFFF4000  }
0x1c: {  	v3 =	vld [tilespmem:$0x0];
	_ =	sdelay $0x4  }
0x1d: {  	v4 =	vshrl.u32 v3, $0x3  }
0x1e: {  	v4 =	vmul.u32 $0x30, v4  }
0x1f: {  	v3 =	vand.u32 $0x7, v3  }
0x20: {  	v3 =	vor.u32 v3, v4  }
0x21: {  	v4 =	vperm.xlane v3, v0;
	_ =	sdelay $0x1  }
0x22: {  	v4 =	vadd.s32 v1, v4;
	_ =	sdelay $0x3  }
0x23: {  	v3 =	vperm.xlane v3, v2  }
0x24: {  	[hbm4b:s3+s2] =	stream.indirect_vreg.scatter [tilespmem:s8], [sflag:$0x1], $0x80, v4, vm0, $0xb8;
	[tilespmem:$0xC080] =	vst v63  }
0x25: {  	s0 =	rddreg [dreg:$0x6];
	v3 =	vadd.s32 v1, v3  }
0x26: {  	[hbm4b:s4+s2] =	stream.indirect_vreg.scatter [tilespmem:s0], [sflag:$0x1], $0x80, v4, vm0, $0xb8;
	[tilespmem:$0xC080] =	vst v63  }
0x27: {  	_ = 	snop  }
0x28: {  	[hbm4b:s5+s2] =	stream.indirect_vreg.scatter [tilespmem:s9], [sflag:$0x1], $0x80, v4, vm0, $0xb8;
	[tilespmem:$0xC080] =	vst v63  }
0x29: {  	_ = 	snop  }
0x2a: {  	[hbm4b:s3+s2] =	stream.indirect_vreg.scatter [tilespmem:s10], [sflag:$0x1], $0x80, v3, vm0, $0xb8;
	[tilespmem:$0xC080] =	vst v63  }
0x2b: {  	_ = 	snop  }
0x2c: {  	[hbm4b:s4+s2] =	stream.indirect_vreg.scatter [tilespmem:s11], [sflag:$0x1], $0x80, v3, vm0, $0xb8;
	[tilespmem:$0xC080] =	vst v63  }
0x2d: {  	_ = 	snop  }
0x2e: {  	[hbm4b:s5+s2] =	stream.indirect_vreg.scatter [tilespmem:s12], [sflag:$0x1], $0x80, v3, vm0, $0xb8;
	[tilespmem:$0xC080] =	vst v63  }
0x2f: {  	v3 =	vld [tilespmem:$0x10];
	_ =	sdelay $0x4  }
0x30: {  	v61 =	vshrl.u32 v3, $0x3  }
0x31: {  	v4 =	vmul.u32 $0x30, v61  }
0x32: {  	v3 =	vand.u32 $0x7, v3  }
0x33: {  	v3 =	vor.u32 v3, v4  }
0x34: {  	v4 =	vperm.xlane v3, v0;
	_ =	sdelay $0x1  }
0x35: {  	v4 =	vadd.s32 v1, v4;
	_ =	sdelay $0x3  }
0x36: {  	v3 =	vperm.xlane v3, v2  }
0x37: {  	[hbm4b:s3+s2] =	stream.indirect_vreg.scatter [tilespmem:s13], [sflag:$0x1], $0x80, v4, vm0, $0xb8;
	[tilespmem:$0xC080] =	vst v63  }
0x38: {  	v3 =	vadd.s32 v1, v3  }
0x39: {  	[hbm4b:s4+s2] =	stream.indirect_vreg.scatter [tilespmem:s14], [sflag:$0x1], $0x80, v4, vm0, $0xb8;
	[tilespmem:$0xC080] =	vst v63  }
0x3a: {  	_ = 	snop  }
0x3b: {  	[hbm4b:s5+s2] =	stream.indirect_vreg.scatter [tilespmem:s15], [sflag:$0x1], $0x80, v4, vm0, $0xb8;
	[tilespmem:$0xC080] =	vst v63  }
0x3c: {  	_ = 	snop  }
0x3d: {  	[hbm4b:s3+s2] =	stream.indirect_vreg.scatter [tilespmem:s16], [sflag:$0x1], $0x80, v3, vm0, $0xb8;
	[tilespmem:$0xC080] =	vst v63  }
0x3e: {  	_ = 	snop  }
0x3f: {  	[hbm4b:s4+s2] =	stream.indirect_vreg.scatter [tilespmem:s17], [sflag:$0x1], $0x80, v3, vm0, $0xb8;
	[tilespmem:$0xC080] =	vst v63  }
0x40: {  	_ = 	snop  }
0x41: {  	[hbm4b:s5+s2] =	stream.indirect_vreg.scatter [tilespmem:s18], [sflag:$0x1], $0x80, v3, vm0, $0xb8;
	[tilespmem:$0xC080] =	vst v63  }
0x42: {  	v3 =	vld [tilespmem:$0x20];
	_ =	sdelay $0x4  }
0x43: {  	v62 =	vshrl.u32 v3, $0x3  }
0x44: {  	v4 =	vmul.u32 $0x30, v62  }
0x45: {  	v3 =	vand.u32 $0x7, v3  }
0x46: {  	v3 =	vor.u32 v3, v4  }
0x47: {  	v4 =	vperm.xlane v3, v0;
	_ =	sdelay $0x1  }
0x48: {  	v4 =	vadd.s32 v1, v4;
	_ =	sdelay $0x3  }
0x49: {  	v3 =	vperm.xlane v3, v2  }
0x4a: {  	[hbm4b:s3+s2] =	stream.indirect_vreg.scatter [tilespmem:s19], [sflag:$0x1], $0x80, v4, vm0, $0xb8;
	[tilespmem:$0xC080] =	vst v63  }
0x4b: {  	v3 =	vadd.s32 v1, v3  }
0x4c: {  	[hbm4b:s4+s2] =	stream.indirect_vreg.scatter [tilespmem:s20], [sflag:$0x1], $0x80, v4, vm0, $0xb8;
	[tilespmem:$0xC080] =	vst v63  }
0x4d: {  	_ = 	snop  }
0x4e: {  	[hbm4b:s5+s2] =	stream.indirect_vreg.scatter [tilespmem:s21], [sflag:$0x1], $0x80, v4, vm0, $0xb8;
	[tilespmem:$0xC080] =	vst v63  }
0x4f: {  	_ = 	snop  }
0x50: {  	[hbm4b:s3+s2] =	stream.indirect_vreg.scatter [tilespmem:s22], [sflag:$0x1], $0x80, v3, vm0, $0xb8;
	[tilespmem:$0xC080] =	vst v63  }
0x51: {  	_ = 	snop  }
0x52: {  	[hbm4b:s4+s2] =	stream.indirect_vreg.scatter [tilespmem:s23], [sflag:$0x1], $0x80, v3, vm0, $0xb8;
	[tilespmem:$0xC080] =	vst v63  }
0x53: {  	_ = 	snop  }
0x54: {  	[hbm4b:s5+s2] =	stream.indirect_vreg.scatter [tilespmem:s24], [sflag:$0x1], $0x80, v3, vm0, $0xb8;
	[tilespmem:$0xC080] =	vst v63  }
0x55: {  	v3 =	vld [tilespmem:$0x30];
	_ =	sdelay $0x4  }
0x56: {  	v63 =	vshrl.u32 v3, $0x3  }
0x57: {  	v4 =	vmul.u32 $0x30, v63  }
0x58: {  	v3 =	vand.u32 $0x7, v3  }
0x59: {  	v3 =	vor.u32 v3, v4  }
0x5a: {  	v4 =	vperm.xlane v3, v0;
	_ =	sdelay $0x1  }
0x5b: {  	v4 =	vadd.s32 v1, v4;
	_ =	sdelay $0x3  }
0x5c: {  	v3 =	vperm.xlane v3, v2  }
0x5d: {  	[hbm4b:s3+s2] =	stream.indirect_vreg.scatter [tilespmem:s25], [sflag:$0x1], $0x80, v4, vm0, $0xb8;
	[tilespmem:$0xC080] =	vst v63  }
0x5e: {  	v3 =	vadd.s32 v1, v3  }
0x5f: {  	[hbm4b:s4+s2] =	stream.indirect_vreg.scatter [tilespmem:s26], [sflag:$0x1], $0x80, v4, vm0, $0xb8;
	[tilespmem:$0xC080] =	vst v63  }
0x60: {  	_ = 	snop  }
0x61: {  	[hbm4b:s5+s2] =	stream.indirect_vreg.scatter [tilespmem:s28], [sflag:$0x1], $0x80, v4, vm0, $0xb8;
	[tilespmem:$0xC080] =	vst v63  }
0x62: {  	_ = 	snop  }
0x63: {  	[hbm4b:s3+s2] =	stream.indirect_vreg.scatter [tilespmem:s29], [sflag:$0x1], $0x80, v3, vm0, $0xb8;
	[tilespmem:$0xC080] =	vst v63  }
0x64: {  	p0 =	sne.s32 s6, $0x1  }
0x65: {  	[hbm4b:s4+s2] =	stream.indirect_vreg.scatter [tilespmem:s30], [sflag:$0x1], $0x80, v3, vm0, $0xb8;
	[tilespmem:$0xC080] =	vst v63  }
.Ltmp0:
0x66: {  	_ = 	snop;
	(pc) =	sbr.rel @p0 .LBB2_1-.Ltmp0, $4  }
0x67: {  	[hbm4b:s5+s2] =	stream.indirect_vreg.scatter [tilespmem:s31], [sflag:$0x1], $0x80, v3, vm0, $0xb8;
	[tilespmem:$0xC080] =	vst v63  }
0x68: {  	_ =	swait.ge [sflag:s1], $0xC000  }
0x69: {  	[sflag:s1] =	ssyncset.done $0x0  }
0x6a: {  	s6 =	sadd.s32 $0xFFFFFFFF, s6;
	[sflag:s1] =	ssyncadd.s32 $0xFFFF4000  }
0x6b: {  	_ =	sfence.sel $0x180000  }
0x6c: {  	[bflag:$0x0] =	sbarrier.arrive $0xFFFF  }
0x6d: {  	_ =	strace $0x90000047  }
0x6e: {  	s0 =	stileid.u32;
	[bflag:$0x2] =	sbarrier.arrive $0xFFFF  }
0x6f: {  	p0 =	sne.s32 s0, $0x0;
	s0 =	rddreg [dreg:$0x3]  }
0x70: {  	s0 =	sadd.s32 @!p0 $0x100000, s0  }
0x71: {  	[sflag:s0] =	ssyncadd.tile.s32 @!p0 $0x1;
	_ =	shalt  }
.Lfunc_end2:
_tile_overlayer_lowered:
.L_overlay_start_2:
0x72: {  	(tag) =	ssettag $0x2  }
0x73: {  	s0 =	rddreg [dreg:$0x0];
	s2 =	stileid.u32  }
0x74: {  	s1 =	rddreg [dreg:$0x1];
	p0 =	sne.s32 s2, $0x0  }
0x75: {  	s3 =	rddreg [dreg:$0x2];
	[bflag:$0x3] =	sbarrier.arrive $0xFFFF;
	s2 =	simm.s32 @!p0 $0x1C02  }
0x76: {  	[timem:s3], [sflag:s2] =	dma.local @!p0 [hbm:s0], s1  }
0x77: {  	s0 =	simm.s32 @!p0 $0x2  }
0x78: {  	_ =	swait.ge @!p0 [sflag:s0], s1  }
0x79: {  	s1 =	ssub.s32 @!p0 $0x0, s1;
	[sflag:s0] =	ssyncset.done @!p0 $0x0  }
0x7a: {  	[sflag:s0] =	ssyncadd.s32 @!p0 s1  }
0x7b: {  	[bflag:$0x3] =	sbarrier.arrive $0xFFFF  }
0x7c: {  	_ =	shalt  }

</sc_bundles>
